<compile_context>
chip_gen: v7x
topology: tpu7x:2x2x1
jax: 0.10.2.dev20260603
libtpu: 0.0.44.dev20260713+nightly
codegen_flags: <defaults>
</compile_context>

<pallas_src>
import functools

import jax
import jax.numpy as jnp
from jax import lax
from jax.experimental import pallas as pl
from jax.experimental.pallas import tpu as pltpu
from jax.experimental.pallas import tpu_sc as plsc

N = 10000
E = 320000
D = 128
DH = D // 2

NC = 2
NS = 16
NW = NC * NS

K = 128
C = 160
PER_W = C * K
EPAD = NS * PER_W

ROWS_PER_TILE = 632
ACC_ROWS = NS * ROWS_PER_TILE
DEG_W = 8
DEG_PER_TILE = 640
DEG_ROWS = NS * DEG_PER_TILE

_MESH = plsc.VectorSubcoreMesh(
    core_axis_name="c", subcore_axis_name="s", num_cores=NC, num_subcores=NS
)

_MSG_CHUNKS = ((0, 128), (128, 128), (256, 128), (384, 128), (512, 120))


@functools.partial(
    pl.kernel,
    out_type=jax.ShapeDtypeStruct((NC, DEG_ROWS, DEG_W), jnp.float32),
    mesh=_MESH,
    scratch_types=[
        pltpu.VMEM((C, K), jnp.int32),
        pltpu.VMEM((K, DEG_W), jnp.float32),
        pltpu.VMEM((DEG_PER_TILE, DEG_W), jnp.float32),
        pltpu.VMEM_SHARED((DEG_ROWS, DEG_W), jnp.float32),
    ],
    compiler_params=pltpu.CompilerParams(use_tc_tiling_on_sc=False),
)
def _deg_kernel(dst3_hbm, ones_hbm, zdeg_hbm, deg_out, idx_all, ones_v, zbuf, acc):
    c = lax.axis_index("c")
    s = lax.axis_index("s")
    pltpu.sync_copy(dst3_hbm.at[s], idx_all)
    pltpu.sync_copy(ones_hbm, ones_v)
    pltpu.sync_copy(zdeg_hbm, zbuf)
    row0 = s * DEG_PER_TILE
    pltpu.sync_copy(zbuf, acc.at[pl.ds(row0, DEG_PER_TILE)])
    plsc.subcore_barrier()

    half = C // 2

    def body(i, carry):
        cc = c * half + i
        pltpu.sync_copy(ones_v, acc.at[idx_all.at[cc]], add=True)
        return carry

    lax.fori_loop(0, half, body, 0)
    plsc.subcore_barrier()
    pltpu.sync_copy(acc.at[pl.ds(row0, DEG_PER_TILE)], zbuf)
    pltpu.sync_copy(zbuf, deg_out.at[c, pl.ds(row0, DEG_PER_TILE)])


@functools.partial(
    pl.kernel,
    out_type=jax.ShapeDtypeStruct((NC, ACC_ROWS, DH), jnp.float32),
    mesh=_MESH,
    scratch_types=[
        pltpu.VMEM((8, 2, K), jnp.int32),
        [pltpu.VMEM((K, DH), jnp.float32) for _ in range(8)],
        pltpu.VMEM((128, DH), jnp.float32),
        pltpu.VMEM_SHARED((ACC_ROWS, DH), jnp.float32),
        [pltpu.SemaphoreType.DMA for _ in range(8)],
        [pltpu.SemaphoreType.DMA for _ in range(8)],
    ],
    compiler_params=pltpu.CompilerParams(use_tc_tiling_on_sc=False),
)
def _msg_kernel(h2s_hbm, sd4_hbm, zmsg_hbm, part_out,
                sdx, rows, zbuf, acc, sem_g, sem_s):
    c = lax.axis_index("c")
    s = lax.axis_index("s")
    pltpu.sync_copy(zmsg_hbm, zbuf)
    base_row = s * ROWS_PER_TILE
    for off, cnt in _MSG_CHUNKS:
        pltpu.sync_copy(zbuf.at[pl.ds(0, cnt)], acc.at[pl.ds(base_row + off, cnt)])
    plsc.subcore_barrier()

    table = h2s_hbm.at[c]
    NB = 8

    def body(tb, carry):
        for b in range(NB):
            @pl.when(tb > 0)
            def _():
                pltpu.make_async_copy(rows[b], acc.at[sdx.at[b, 1]], sem_s[b]).wait()
        pltpu.sync_copy(sd4_hbm.at[s, pl.ds(tb * NB, NB)], sdx)
        for b in range(NB):
            pltpu.async_copy(table.at[sdx.at[b, 0]], rows[b], sem_g[b])
        for b in range(NB):
            pltpu.make_async_copy(table.at[sdx.at[b, 0]], rows[b], sem_g[b]).wait()
            pltpu.async_copy(rows[b], acc.at[sdx.at[b, 1]], sem_s[b], add=True)
        return carry

    lax.fori_loop(0, C // NB, body, 0)
    for b in range(NB):
        pltpu.make_async_copy(rows[b], acc.at[sdx.at[b, 1]], sem_s[b]).wait()
    plsc.subcore_barrier()
    for off, cnt in _MSG_CHUNKS:
        pltpu.sync_copy(acc.at[pl.ds(base_row + off, cnt)], zbuf.at[pl.ds(0, cnt)])
        pltpu.sync_copy(zbuf.at[pl.ds(0, cnt)], part_out.at[c, pl.ds(base_row + off, cnt)])


R = 1000


def _pre_body(x_ref, d0_ref, d1_ref, w_ref, wr_ref, b_ref, br_ref,
              h2lo_ref, h2hi_ref, base_ref, dis_ref):
    x = x_ref[...]
    deg = 1.0 + d0_ref[...][:, 0:1] + d1_ref[...][:, 0:1]
    dis = lax.rsqrt(deg)
    h2 = jnp.dot(x, w_ref[...], preferred_element_type=jnp.float32) * dis
    base = (h2 * dis
            + jnp.dot(x, wr_ref[...], preferred_element_type=jnp.float32)
            + b_ref[...] + br_ref[...])
    h2lo_ref[...] = h2[:, :DH]
    h2hi_ref[...] = h2[:, DH:]
    base_ref[...] = base
    dis_ref[...] = dis


_pre_call = pl.pallas_call(
    _pre_body,
    grid=(N // R,),
    in_specs=[
        pl.BlockSpec((R, D), lambda i: (i, 0)),
        pl.BlockSpec((R, DEG_W), lambda i: (i, 0)),
        pl.BlockSpec((R, DEG_W), lambda i: (i, 0)),
        pl.BlockSpec((D, D), lambda i: (0, 0)),
        pl.BlockSpec((D, D), lambda i: (0, 0)),
        pl.BlockSpec((1, D), lambda i: (0, 0)),
        pl.BlockSpec((1, D), lambda i: (0, 0)),
    ],
    out_specs=[
        pl.BlockSpec((R, DH), lambda i: (i, 0)),
        pl.BlockSpec((R, DH), lambda i: (i, 0)),
        pl.BlockSpec((R, D), lambda i: (i, 0)),
        pl.BlockSpec((R, 1), lambda i: (i, 0)),
    ],
    out_shape=[
        jax.ShapeDtypeStruct((N, DH), jnp.float32),
        jax.ShapeDtypeStruct((N, DH), jnp.float32),
        jax.ShapeDtypeStruct((N, D), jnp.float32),
        jax.ShapeDtypeStruct((N, 1), jnp.float32),
    ],
)


def _post_body(p_ref, base_ref, dis_ref, o_ref):
    p = p_ref[...]
    agg = jnp.concatenate([p[0], p[1]], axis=1)
    o_ref[...] = jnp.maximum(agg * dis_ref[...] + base_ref[...], 0.0)


_post_call = pl.pallas_call(
    _post_body,
    grid=(N // R,),
    in_specs=[
        pl.BlockSpec((NC, R, DH), lambda i: (0, i, 0)),
        pl.BlockSpec((R, D), lambda i: (i, 0)),
        pl.BlockSpec((R, 1), lambda i: (i, 0)),
    ],
    out_specs=pl.BlockSpec((R, D), lambda i: (i, 0)),
    out_shape=jax.ShapeDtypeStruct((N, D), jnp.float32),
)


def kernel(x, edge_index, W, b, W_res, b_res):
    ei = edge_index.astype(jnp.int32)
    npad = EPAD - E
    pad_src = jnp.zeros((npad,), jnp.int32)
    pad_dst = N + (jnp.arange(npad, dtype=jnp.int32) & 15)
    src3 = jnp.concatenate([ei[0], pad_src]).reshape(NS, C, K)
    dst3 = jnp.concatenate([ei[1], pad_dst]).reshape(NS, C, K)
    sd4 = jnp.stack([src3, dst3], axis=2)

    ones8 = jnp.zeros((K, DEG_W), jnp.float32).at[:, 0].set(1.0)
    zdeg = jnp.zeros((DEG_PER_TILE, DEG_W), jnp.float32)
    zmsg = jnp.zeros((128, DH), jnp.float32)

    deg = _deg_kernel(dst3, ones8, zdeg)
    h2lo, h2hi, base, dis = _pre_call(
        x, deg[0], deg[1], W, W_res, b.reshape(1, D), b_res.reshape(1, D)
    )
    h2s = jnp.stack([h2lo, h2hi], axis=0)
    part = _msg_kernel(h2s, sd4, zmsg)
    return _post_call(part, base, dis)

# --- scband reference (transcript-rebuilt; emitter-appended) ---
"""Pipeline reference for scband-graph-convolution-wrapper-57397942943801 (READ-ONLY COPY).

The authoritative reference and input builder live on the scoring server;
editing this copy changes nothing except your own understanding.
"""

import jax, jax.numpy as jnp
import numpy as np

N = 10000
E = 320000
DIN = 128
DOUT = 128


def setup_inputs(seed: int = 0) -> dict:
    key = jax.random.key(seed)
    k1, k2, k3, k4, k5 = jax.random.split(key, 5)
    x = jax.random.normal(k1, (N, DIN), dtype=jnp.float32)
    edge_index = jax.random.randint(k2, (2, E), 0, N).astype(jnp.int64)
    # GCNConv learned params (weight [DIN, DOUT] + bias)
    W = jax.random.normal(k3, (DIN, DOUT), dtype=jnp.float32) / np.sqrt(DIN)
    b = jnp.zeros((DOUT,), dtype=jnp.float32)
    # residual Linear params
    W_res = jax.random.normal(k4, (DIN, DOUT), dtype=jnp.float32) / np.sqrt(DIN)
    b_res = (jax.random.uniform(k5, (DOUT,), dtype=jnp.float32) - 0.5) * (2.0 / np.sqrt(DIN))
    return {"x": x, "edge_index": edge_index, "W": W, "b": b, "W_res": W_res, "b_res": b_res}


def reference(x, edge_index, W, b, W_res, b_res):
    # GCNConv with add_self_loops=True, normalize=True (PyG defaults)
    loops = jnp.arange(N, dtype=edge_index.dtype)
    src = jnp.concatenate([edge_index[0], loops])
    dst = jnp.concatenate([edge_index[1], loops])
    ones = jnp.ones(src.shape[0], dtype=jnp.float32)
    deg = jax.ops.segment_sum(ones, dst, num_segments=N)
    deg_inv_sqrt = jnp.where(deg > 0, deg ** -0.5, 0.0)
    norm = deg_inv_sqrt[src] * deg_inv_sqrt[dst]
    h = x @ W
    msg = h[src] * norm[:, None]
    out = jax.ops.segment_sum(msg, dst, num_segments=N) + b
    # residual linear branch
    out = out + x @ W_res + b_res
    # activation (ReLU); dropout p=0.0 is identity
    out = jax.nn.relu(out)
    return out

if __name__ == "__main__":
    import jax
    _d = setup_inputs()
    print(jax.jit(kernel)(*tuple(_d.values())))

</pallas_src>

<mosaic_0001>
#map = affine_map<(d0, d1) -> (0, 0, 0)>
#map1 = affine_map<(d0, d1) -> (0, 0)>
module attributes {stable_mosaic.version = 14 : i64} {
  func.func @_deg_kernel(%arg0: i32, %arg1: i32, %arg2: memref<16x160x128xi32, #tpu.memory_space<hbm>>, %arg3: memref<128x8xf32, #tpu.memory_space<hbm>>, %arg4: memref<640x8xf32, #tpu.memory_space<hbm>>, %arg5: memref<2x10240x8xf32, #tpu.memory_space<hbm>>, %arg6: memref<160x128xi32, #tpu.memory_space<vmem>>, %arg7: memref<128x8xf32, #tpu.memory_space<vmem>>, %arg8: memref<640x8xf32, #tpu.memory_space<vmem>>, %arg9: memref<10240x8xf32, #tpu.memory_space<vmem_shared>>) attributes {dimension_semantics = [#tpu.dimension_semantics<core_parallel>, #tpu.dimension_semantics<subcore_parallel>], iteration_bounds = array<i64: 2, 16>, scalar_prefetch = 0 : i64, scratch_operands = 4 : i64, tpu.core_type = #tpu.core_type<sc_vector_subcore>, window_params = [{transform_indices = #map}, {transform_indices = #map1}, {transform_indices = #map1}, {transform_indices = #map}]} {
    "tpu.region"() ({
      %run_scoped3A = tpu.sem_alloc : memref<!tpu.dma_semaphore, #tpu.memory_space<semaphore_mem>>
      %dma_start3A = arith.constant 0 : i32
      %dma_start3A_7 = arith.constant 0 : i32
      %dma_start3A_8 = tpu.memref_slice %arg2[%arg1, %dma_start3A, %dma_start3A_7] : memref<16x160x128xi32, #tpu.memory_space<hbm>> -> memref<1x160x128xi32, #tpu.memory_space<hbm>>
      %dma_start3A_9 = tpu.memref_squeeze %dma_start3A_8 : memref<1x160x128xi32, #tpu.memory_space<hbm>> -> memref<160x128xi32, #tpu.memory_space<hbm>>
      %dma_start3A_10 = arith.constant 0 : i32
      %dma_start3A_11 = arith.constant 0 : i32
      %dma_start3A_12 = tpu.memref_slice %arg2[%arg1, %dma_start3A_10, %dma_start3A_11] : memref<16x160x128xi32, #tpu.memory_space<hbm>> -> memref<1x160x128xi32, #tpu.memory_space<hbm>>
      %dma_start3A_13 = tpu.memref_squeeze %dma_start3A_12 : memref<1x160x128xi32, #tpu.memory_space<hbm>> -> memref<160x128xi32, #tpu.memory_space<hbm>>
      tpu.enqueue_dma source(%dma_start3A_13 : memref<160x128xi32, #tpu.memory_space<hbm>>) target(%arg6 : memref<160x128xi32, #tpu.memory_space<vmem>>) target_semaphore(%run_scoped3A : memref<!tpu.dma_semaphore, #tpu.memory_space<semaphore_mem>>)
      %dma_wait3A = arith.constant 0 : i32
      %dma_wait3A_14 = arith.constant 0 : i32
      %dma_wait3A_15 = tpu.memref_slice %arg2[%arg1, %dma_wait3A, %dma_wait3A_14] : memref<16x160x128xi32, #tpu.memory_space<hbm>> -> memref<1x160x128xi32, #tpu.memory_space<hbm>>
      %dma_wait3A_16 = tpu.memref_squeeze %dma_wait3A_15 : memref<1x160x128xi32, #tpu.memory_space<hbm>> -> memref<160x128xi32, #tpu.memory_space<hbm>>
      %dma_wait3A_17 = arith.constant 0 : i32
      %dma_wait3A_18 = arith.constant 0 : i32
      %dma_wait3A_19 = tpu.memref_slice %arg2[%arg1, %dma_wait3A_17, %dma_wait3A_18] : memref<16x160x128xi32, #tpu.memory_space<hbm>> -> memref<1x160x128xi32, #tpu.memory_space<hbm>>
      %dma_wait3A_20 = tpu.memref_squeeze %dma_wait3A_19 : memref<1x160x128xi32, #tpu.memory_space<hbm>> -> memref<160x128xi32, #tpu.memory_space<hbm>>
      tpu.wait_dma2 semaphore(%run_scoped3A : memref<!tpu.dma_semaphore, #tpu.memory_space<semaphore_mem>>) src(%dma_wait3A_20 : memref<160x128xi32, #tpu.memory_space<hbm>>) dst(%arg6 : memref<160x128xi32, #tpu.memory_space<vmem>>)
      tpu.yield
    }) : () -> ()
    "tpu.region"() ({
      %run_scoped3A = tpu.sem_alloc : memref<!tpu.dma_semaphore, #tpu.memory_space<semaphore_mem>>
      tpu.enqueue_dma source(%arg3 : memref<128x8xf32, #tpu.memory_space<hbm>>) target(%arg7 : memref<128x8xf32, #tpu.memory_space<vmem>>) target_semaphore(%run_scoped3A : memref<!tpu.dma_semaphore, #tpu.memory_space<semaphore_mem>>)
      tpu.wait_dma2 semaphore(%run_scoped3A : memref<!tpu.dma_semaphore, #tpu.memory_space<semaphore_mem>>) src(%arg3 : memref<128x8xf32, #tpu.memory_space<hbm>>) dst(%arg7 : memref<128x8xf32, #tpu.memory_space<vmem>>)
      tpu.yield
    }) : () -> ()
    "tpu.region"() ({
      %run_scoped3A = tpu.sem_alloc : memref<!tpu.dma_semaphore, #tpu.memory_space<semaphore_mem>>
      tpu.enqueue_dma source(%arg4 : memref<640x8xf32, #tpu.memory_space<hbm>>) target(%arg8 : memref<640x8xf32, #tpu.memory_space<vmem>>) target_semaphore(%run_scoped3A : memref<!tpu.dma_semaphore, #tpu.memory_space<semaphore_mem>>)
      tpu.wait_dma2 semaphore(%run_scoped3A : memref<!tpu.dma_semaphore, #tpu.memory_space<semaphore_mem>>) src(%arg4 : memref<640x8xf32, #tpu.memory_space<hbm>>) dst(%arg8 : memref<640x8xf32, #tpu.memory_space<vmem>>)
      tpu.yield
    }) : () -> ()
    %mul3A = arith.constant 640 : i32
    %mul3A_0 = arith.muli %arg1, %mul3A : i32
    "tpu.region"() ({
      %run_scoped3A = tpu.sem_alloc : memref<!tpu.dma_semaphore, #tpu.memory_space<semaphore_mem>>
      %dma_start3A = arith.constant 0 : i32
      %dma_start3A_7 = tpu.memref_slice %arg9[%mul3A_0, %dma_start3A] : memref<10240x8xf32, #tpu.memory_space<vmem_shared>> -> memref<640x8xf32, #tpu.memory_space<vmem_shared>>
      %dma_start3A_8 = arith.constant 0 : i32
      %dma_start3A_9 = tpu.memref_slice %arg9[%mul3A_0, %dma_start3A_8] : memref<10240x8xf32, #tpu.memory_space<vmem_shared>> -> memref<640x8xf32, #tpu.memory_space<vmem_shared>>
      tpu.enqueue_dma source(%arg8 : memref<640x8xf32, #tpu.memory_space<vmem>>) target(%dma_start3A_9 : memref<640x8xf32, #tpu.memory_space<vmem_shared>>) target_semaphore(%run_scoped3A : memref<!tpu.dma_semaphore, #tpu.memory_space<semaphore_mem>>)
      %dma_wait3A = arith.constant 0 : i32
      %dma_wait3A_10 = tpu.memref_slice %arg9[%mul3A_0, %dma_wait3A] : memref<10240x8xf32, #tpu.memory_space<vmem_shared>> -> memref<640x8xf32, #tpu.memory_space<vmem_shared>>
      %dma_wait3A_11 = arith.constant 0 : i32
      %dma_wait3A_12 = tpu.memref_slice %arg9[%mul3A_0, %dma_wait3A_11] : memref<10240x8xf32, #tpu.memory_space<vmem_shared>> -> memref<640x8xf32, #tpu.memory_space<vmem_shared>>
      tpu.wait_dma2 semaphore(%run_scoped3A : memref<!tpu.dma_semaphore, #tpu.memory_space<semaphore_mem>>) src(%arg8 : memref<640x8xf32, #tpu.memory_space<vmem>>) dst(%dma_wait3A_12 : memref<640x8xf32, #tpu.memory_space<vmem_shared>>)
      tpu.yield
    }) : () -> ()
    %barrier3A = arith.constant 0 : index
    tpu.barrier barrier_id(%barrier3A)
    %scan3A = arith.constant 0 : i32
    %scan3A_1 = arith.constant 0 : i32
    %scan3A_2 = arith.constant 80 : i32
    %scan3A_3 = arith.addi %scan3A_1, %scan3A_2 : i32
    %scan3A_4 = arith.constant 1 : i32
    scf.for %scan3A_7 = %scan3A_1 to %scan3A_3 step %scan3A_4  : i32 {
      %mul3A_8 = arith.constant 80 : i32
      %mul3A_9 = arith.muli %arg0, %mul3A_8 : i32
      %add3A = arith.addi %mul3A_9, %scan3A_7 : i32
      "tpu.region"() ({
        %run_scoped3A = tpu.sem_alloc : memref<!tpu.dma_semaphore, #tpu.memory_space<semaphore_mem>>
        %dma_start3A = arith.constant 0 : i32
        %dma_start3A_10 = tpu.memref_slice %arg6[%add3A, %dma_start3A] : memref<160x128xi32, #tpu.memory_space<vmem>> -> memref<1x128xi32, #tpu.memory_space<vmem>>
        %dma_start3A_11 = tpu.memref_squeeze %dma_start3A_10 : memref<1x128xi32, #tpu.memory_space<vmem>> -> memref<128xi32, #tpu.memory_space<vmem>>
        %dma_start3A_12 = arith.constant 0 : i32
        %dma_start3A_13 = arith.constant 0 : i32
        %dma_start3A_14 = tpu.memref_slice %arg9[%dma_start3A_12, %dma_start3A_13] : memref<10240x8xf32, #tpu.memory_space<vmem_shared>> -> memref<10240x8xf32, #tpu.memory_space<vmem_shared>>
        tpu.enqueue_indirect_dma source(%arg7 : memref<128x8xf32, #tpu.memory_space<vmem>>) target(%dma_start3A_14 : memref<10240x8xf32, #tpu.memory_space<vmem_shared>>) offsets(%dma_start3A_11 : memref<128xi32, #tpu.memory_space<vmem>>) semaphore(%run_scoped3A : memref<!tpu.dma_semaphore, #tpu.memory_space<semaphore_mem>>) {add = true}
        %dma_wait3A = arith.constant 0 : i32
        %dma_wait3A_15 = tpu.memref_slice %arg6[%add3A, %dma_wait3A] : memref<160x128xi32, #tpu.memory_space<vmem>> -> memref<1x128xi32, #tpu.memory_space<vmem>>
        %dma_wait3A_16 = tpu.memref_squeeze %dma_wait3A_15 : memref<1x128xi32, #tpu.memory_space<vmem>> -> memref<128xi32, #tpu.memory_space<vmem>>
        %dma_wait3A_17 = arith.constant 0 : i32
        %dma_wait3A_18 = arith.constant 0 : i32
        %dma_wait3A_19 = tpu.memref_slice %arg9[%dma_wait3A_17, %dma_wait3A_18] : memref<10240x8xf32, #tpu.memory_space<vmem_shared>> -> memref<10240x8xf32, #tpu.memory_space<vmem_shared>>
        tpu.wait_indirect_dma semaphore(%run_scoped3A : memref<!tpu.dma_semaphore, #tpu.memory_space<semaphore_mem>>) src(%arg7 : memref<128x8xf32, #tpu.memory_space<vmem>>) dst(%dma_wait3A_19 : memref<10240x8xf32, #tpu.memory_space<vmem_shared>>)
        tpu.yield
      }) : () -> ()
    }
    %scan3A_5 = arith.constant 80 : i32
    %barrier3A_6 = arith.constant 0 : index
    tpu.barrier barrier_id(%barrier3A_6)
    "tpu.region"() ({
      %run_scoped3A = tpu.sem_alloc : memref<!tpu.dma_semaphore, #tpu.memory_space<semaphore_mem>>
      %dma_start3A = arith.constant 0 : i32
      %dma_start3A_7 = tpu.memref_slice %arg9[%mul3A_0, %dma_start3A] : memref<10240x8xf32, #tpu.memory_space<vmem_shared>> -> memref<640x8xf32, #tpu.memory_space<vmem_shared>>
      %dma_start3A_8 = arith.constant 0 : i32
      %dma_start3A_9 = tpu.memref_slice %arg9[%mul3A_0, %dma_start3A_8] : memref<10240x8xf32, #tpu.memory_space<vmem_shared>> -> memref<640x8xf32, #tpu.memory_space<vmem_shared>>
      tpu.enqueue_dma source(%dma_start3A_9 : memref<640x8xf32, #tpu.memory_space<vmem_shared>>) target(%arg8 : memref<640x8xf32, #tpu.memory_space<vmem>>) target_semaphore(%run_scoped3A : memref<!tpu.dma_semaphore, #tpu.memory_space<semaphore_mem>>)
      %dma_wait3A = arith.constant 0 : i32
      %dma_wait3A_10 = tpu.memref_slice %arg9[%mul3A_0, %dma_wait3A] : memref<10240x8xf32, #tpu.memory_space<vmem_shared>> -> memref<640x8xf32, #tpu.memory_space<vmem_shared>>
      %dma_wait3A_11 = arith.constant 0 : i32
      %dma_wait3A_12 = tpu.memref_slice %arg9[%mul3A_0, %dma_wait3A_11] : memref<10240x8xf32, #tpu.memory_space<vmem_shared>> -> memref<640x8xf32, #tpu.memory_space<vmem_shared>>
      tpu.wait_dma2 semaphore(%run_scoped3A : memref<!tpu.dma_semaphore, #tpu.memory_space<semaphore_mem>>) src(%dma_wait3A_12 : memref<640x8xf32, #tpu.memory_space<vmem_shared>>) dst(%arg8 : memref<640x8xf32, #tpu.memory_space<vmem>>)
      tpu.yield
    }) : () -> ()
    "tpu.region"() ({
      %run_scoped3A = tpu.sem_alloc : memref<!tpu.dma_semaphore, #tpu.memory_space<semaphore_mem>>
      %dma_start3A = arith.constant 0 : i32
      %dma_start3A_7 = tpu.memref_slice %arg5[%arg0, %mul3A_0, %dma_start3A] : memref<2x10240x8xf32, #tpu.memory_space<hbm>> -> memref<1x640x8xf32, #tpu.memory_space<hbm>>
      %dma_start3A_8 = tpu.memref_squeeze %dma_start3A_7 : memref<1x640x8xf32, #tpu.memory_space<hbm>> -> memref<640x8xf32, #tpu.memory_space<hbm>>
      %dma_start3A_9 = arith.constant 0 : i32
      %dma_start3A_10 = tpu.memref_slice %arg5[%arg0, %mul3A_0, %dma_start3A_9] : memref<2x10240x8xf32, #tpu.memory_space<hbm>> -> memref<1x640x8xf32, #tpu.memory_space<hbm>>
      %dma_start3A_11 = tpu.memref_squeeze %dma_start3A_10 : memref<1x640x8xf32, #tpu.memory_space<hbm>> -> memref<640x8xf32, #tpu.memory_space<hbm>>
      tpu.enqueue_dma source(%arg8 : memref<640x8xf32, #tpu.memory_space<vmem>>) target(%dma_start3A_11 : memref<640x8xf32, #tpu.memory_space<hbm>>) target_semaphore(%run_scoped3A : memref<!tpu.dma_semaphore, #tpu.memory_space<semaphore_mem>>)
      %dma_wait3A = arith.constant 0 : i32
      %dma_wait3A_12 = tpu.memref_slice %arg5[%arg0, %mul3A_0, %dma_wait3A] : memref<2x10240x8xf32, #tpu.memory_space<hbm>> -> memref<1x640x8xf32, #tpu.memory_space<hbm>>
      %dma_wait3A_13 = tpu.memref_squeeze %dma_wait3A_12 : memref<1x640x8xf32, #tpu.memory_space<hbm>> -> memref<640x8xf32, #tpu.memory_space<hbm>>
      %dma_wait3A_14 = arith.constant 0 : i32
      %dma_wait3A_15 = tpu.memref_slice %arg5[%arg0, %mul3A_0, %dma_wait3A_14] : memref<2x10240x8xf32, #tpu.memory_space<hbm>> -> memref<1x640x8xf32, #tpu.memory_space<hbm>>
      %dma_wait3A_16 = tpu.memref_squeeze %dma_wait3A_15 : memref<1x640x8xf32, #tpu.memory_space<hbm>> -> memref<640x8xf32, #tpu.memory_space<hbm>>
      tpu.wait_dma2 semaphore(%run_scoped3A : memref<!tpu.dma_semaphore, #tpu.memory_space<semaphore_mem>>) src(%arg8 : memref<640x8xf32, #tpu.memory_space<vmem>>) dst(%dma_wait3A_16 : memref<640x8xf32, #tpu.memory_space<hbm>>)
      tpu.yield
    }) : () -> ()
    return
  }
}

#map = affine_map<(d0, d1) -> (0, 0, 0)>
#map1 = affine_map<(d0, d1) -> (0, 0, 0, 0)>
#map2 = affine_map<(d0, d1) -> (0, 0)>
module attributes {stable_mosaic.version = 14 : i64} {
  func.func @_msg_kernel(%arg0: i32, %arg1: i32, %arg2: memref<2x10000x64xf32, #tpu.memory_space<hbm>>, %arg3: memref<16x160x2x128xi32, #tpu.memory_space<hbm>>, %arg4: memref<128x64xf32, #tpu.memory_space<hbm>>, %arg5: memref<2x10112x64xf32, #tpu.memory_space<hbm>>, %arg6: memref<8x2x128xi32, #tpu.memory_space<vmem>>, %arg7: memref<128x64xf32, #tpu.memory_space<vmem>>, %arg8: memref<128x64xf32, #tpu.memory_space<vmem>>, %arg9: memref<128x64xf32, #tpu.memory_space<vmem>>, %arg10: memref<128x64xf32, #tpu.memory_space<vmem>>, %arg11: memref<128x64xf32, #tpu.memory_space<vmem>>, %arg12: memref<128x64xf32, #tpu.memory_space<vmem>>, %arg13: memref<128x64xf32, #tpu.memory_space<vmem>>, %arg14: memref<128x64xf32, #tpu.memory_space<vmem>>, %arg15: memref<128x64xf32, #tpu.memory_space<vmem>>, %arg16: memref<10112x64xf32, #tpu.memory_space<vmem_shared>>, %arg17: memref<!tpu.dma_semaphore, #tpu.memory_space<semaphore_mem>>, %arg18: memref<!tpu.dma_semaphore, #tpu.memory_space<semaphore_mem>>, %arg19: memref<!tpu.dma_semaphore, #tpu.memory_space<semaphore_mem>>, %arg20: memref<!tpu.dma_semaphore, #tpu.memory_space<semaphore_mem>>, %arg21: memref<!tpu.dma_semaphore, #tpu.memory_space<semaphore_mem>>, %arg22: memref<!tpu.dma_semaphore, #tpu.memory_space<semaphore_mem>>, %arg23: memref<!tpu.dma_semaphore, #tpu.memory_space<semaphore_mem>>, %arg24: memref<!tpu.dma_semaphore, #tpu.memory_space<semaphore_mem>>, %arg25: memref<!tpu.dma_semaphore, #tpu.memory_space<semaphore_mem>>, %arg26: memref<!tpu.dma_semaphore, #tpu.memory_space<semaphore_mem>>, %arg27: memref<!tpu.dma_semaphore, #tpu.memory_space<semaphore_mem>>, %arg28: memref<!tpu.dma_semaphore, #tpu.memory_space<semaphore_mem>>, %arg29: memref<!tpu.dma_semaphore, #tpu.memory_space<semaphore_mem>>, %arg30: memref<!tpu.dma_semaphore, #tpu.memory_space<semaphore_mem>>, %arg31: memref<!tpu.dma_semaphore, #tpu.memory_space<semaphore_mem>>, %arg32: memref<!tpu.dma_semaphore, #tpu.memory_space<semaphore_mem>>) attributes {dimension_semantics = [#tpu.dimension_semantics<core_parallel>, #tpu.dimension_semantics<subcore_parallel>], iteration_bounds = array<i64: 2, 16>, scalar_prefetch = 0 : i64, scratch_operands = 27 : i64, tpu.core_type = #tpu.core_type<sc_vector_subcore>, window_params = [{transform_indices = #map}, {transform_indices = #map1}, {transform_indices = #map2}, {transform_indices = #map}]} {
    "tpu.region"() ({
      %run_scoped3A = tpu.sem_alloc : memref<!tpu.dma_semaphore, #tpu.memory_space<semaphore_mem>>
      tpu.enqueue_dma source(%arg4 : memref<128x64xf32, #tpu.memory_space<hbm>>) target(%arg15 : memref<128x64xf32, #tpu.memory_space<vmem>>) target_semaphore(%run_scoped3A : memref<!tpu.dma_semaphore, #tpu.memory_space<semaphore_mem>>)
      tpu.wait_dma2 semaphore(%run_scoped3A : memref<!tpu.dma_semaphore, #tpu.memory_space<semaphore_mem>>) src(%arg4 : memref<128x64xf32, #tpu.memory_space<hbm>>) dst(%arg15 : memref<128x64xf32, #tpu.memory_space<vmem>>)
      tpu.yield
    }) : () -> ()
    %mul3A = arith.constant 632 : i32
    %mul3A_0 = arith.muli %arg1, %mul3A : i32
    %add3A = arith.constant 0 : i32
    %add3A_1 = arith.addi %mul3A_0, %add3A : i32
    "tpu.region"() ({
      %run_scoped3A = tpu.sem_alloc : memref<!tpu.dma_semaphore, #tpu.memory_space<semaphore_mem>>
      %dma_start3A = arith.constant 0 : i32
      %dma_start3A_99 = arith.constant 0 : i32
      %dma_start3A_100 = tpu.memref_slice %arg15[%dma_start3A, %dma_start3A_99] : memref<128x64xf32, #tpu.memory_space<vmem>> -> memref<128x64xf32, #tpu.memory_space<vmem>>
      %dma_start3A_101 = arith.constant 0 : i32
      %dma_start3A_102 = tpu.memref_slice %arg16[%add3A_1, %dma_start3A_101] : memref<10112x64xf32, #tpu.memory_space<vmem_shared>> -> memref<128x64xf32, #tpu.memory_space<vmem_shared>>
      %dma_start3A_103 = arith.constant 0 : i32
      %dma_start3A_104 = tpu.memref_slice %arg16[%add3A_1, %dma_start3A_103] : memref<10112x64xf32, #tpu.memory_space<vmem_shared>> -> memref<128x64xf32, #tpu.memory_space<vmem_shared>>
      %dma_start3A_105 = arith.constant 0 : i32
      %dma_start3A_106 = arith.constant 0 : i32
      %dma_start3A_107 = tpu.memref_slice %arg15[%dma_start3A_105, %dma_start3A_106] : memref<128x64xf32, #tpu.memory_space<vmem>> -> memref<128x64xf32, #tpu.memory_space<vmem>>
      tpu.enqueue_dma source(%dma_start3A_107 : memref<128x64xf32, #tpu.memory_space<vmem>>) target(%dma_start3A_104 : memref<128x64xf32, #tpu.memory_space<vmem_shared>>) target_semaphore(%run_scoped3A : memref<!tpu.dma_semaphore, #tpu.memory_space<semaphore_mem>>)
      %dma_wait3A_108 = arith.constant 0 : i32
      %dma_wait3A_109 = arith.constant 0 : i32
      %dma_wait3A_110 = tpu.memref_slice %arg15[%dma_wait3A_108, %dma_wait3A_109] : memref<128x64xf32, #tpu.memory_space<vmem>> -> memref<128x64xf32, #tpu.memory_space<vmem>>
      %dma_wait3A_111 = arith.constant 0 : i32
      %dma_wait3A_112 = tpu.memref_slice %arg16[%add3A_1, %dma_wait3A_111] : memref<10112x64xf32, #tpu.memory_space<vmem_shared>> -> memref<128x64xf32, #tpu.memory_space<vmem_shared>>
      %dma_wait3A_113 = arith.constant 0 : i32
      %dma_wait3A_114 = tpu.memref_slice %arg16[%add3A_1, %dma_wait3A_113] : memref<10112x64xf32, #tpu.memory_space<vmem_shared>> -> memref<128x64xf32, #tpu.memory_space<vmem_shared>>
      %dma_wait3A_115 = arith.constant 0 : i32
      %dma_wait3A_116 = arith.constant 0 : i32
      %dma_wait3A_117 = tpu.memref_slice %arg15[%dma_wait3A_115, %dma_wait3A_116] : memref<128x64xf32, #tpu.memory_space<vmem>> -> memref<128x64xf32, #tpu.memory_space<vmem>>
      tpu.wait_dma2 semaphore(%run_scoped3A : memref<!tpu.dma_semaphore, #tpu.memory_space<semaphore_mem>>) src(%dma_wait3A_117 : memref<128x64xf32, #tpu.memory_space<vmem>>) dst(%dma_wait3A_114 : memref<128x64xf32, #tpu.memory_space<vmem_shared>>)
      tpu.yield
    }) : () -> ()
    %add3A_2 = arith.constant 128 : i32
    %add3A_3 = arith.addi %mul3A_0, %add3A_2 : i32
    "tpu.region"() ({
      %run_scoped3A = tpu.sem_alloc : memref<!tpu.dma_semaphore, #tpu.memory_space<semaphore_mem>>
      %dma_start3A = arith.constant 0 : i32
      %dma_start3A_99 = arith.constant 0 : i32
      %dma_start3A_100 = tpu.memref_slice %arg15[%dma_start3A, %dma_start3A_99] : memref<128x64xf32, #tpu.memory_space<vmem>> -> memref<128x64xf32, #tpu.memory_space<vmem>>
      %dma_start3A_101 = arith.constant 0 : i32
      %dma_start3A_102 = tpu.memref_slice %arg16[%add3A_3, %dma_start3A_101] : memref<10112x64xf32, #tpu.memory_space<vmem_shared>> -> memref<128x64xf32, #tpu.memory_space<vmem_shared>>
      %dma_start3A_103 = arith.constant 0 : i32
      %dma_start3A_104 = tpu.memref_slice %arg16[%add3A_3, %dma_start3A_103] : memref<10112x64xf32, #tpu.memory_space<vmem_shared>> -> memref<128x64xf32, #tpu.memory_space<vmem_shared>>
      %dma_start3A_105 = arith.constant 0 : i32
      %dma_start3A_106 = arith.constant 0 : i32
      %dma_start3A_107 = tpu.memref_slice %arg15[%dma_start3A_105, %dma_start3A_106] : memref<128x64xf32, #tpu.memory_space<vmem>> -> memref<128x64xf32, #tpu.memory_space<vmem>>
      tpu.enqueue_dma source(%dma_start3A_107 : memref<128x64xf32, #tpu.memory_space<vmem>>) target(%dma_start3A_104 : memref<128x64xf32, #tpu.memory_space<vmem_shared>>) target_semaphore(%run_scoped3A : memref<!tpu.dma_semaphore, #tpu.memory_space<semaphore_mem>>)
      %dma_wait3A_108 = arith.constant 0 : i32
      %dma_wait3A_109 = arith.constant 0 : i32
      %dma_wait3A_110 = tpu.memref_slice %arg15[%dma_wait3A_108, %dma_wait3A_109] : memref<128x64xf32, #tpu.memory_space<vmem>> -> memref<128x64xf32, #tpu.memory_space<vmem>>
      %dma_wait3A_111 = arith.constant 0 : i32
      %dma_wait3A_112 = tpu.memref_slice %arg16[%add3A_3, %dma_wait3A_111] : memref<10112x64xf32, #tpu.memory_space<vmem_shared>> -> memref<128x64xf32, #tpu.memory_space<vmem_shared>>
      %dma_wait3A_113 = arith.constant 0 : i32
      %dma_wait3A_114 = tpu.memref_slice %arg16[%add3A_3, %dma_wait3A_113] : memref<10112x64xf32, #tpu.memory_space<vmem_shared>> -> memref<128x64xf32, #tpu.memory_space<vmem_shared>>
      %dma_wait3A_115 = arith.constant 0 : i32
      %dma_wait3A_116 = arith.constant 0 : i32
      %dma_wait3A_117 = tpu.memref_slice %arg15[%dma_wait3A_115, %dma_wait3A_116] : memref<128x64xf32, #tpu.memory_space<vmem>> -> memref<128x64xf32, #tpu.memory_space<vmem>>
      tpu.wait_dma2 semaphore(%run_scoped3A : memref<!tpu.dma_semaphore, #tpu.memory_space<semaphore_mem>>) src(%dma_wait3A_117 : memref<128x64xf32, #tpu.memory_space<vmem>>) dst(%dma_wait3A_114 : memref<128x64xf32, #tpu.memory_space<vmem_shared>>)
      tpu.yield
    }) : () -> ()
    %add3A_4 = arith.constant 256 : i32
    %add3A_5 = arith.addi %mul3A_0, %add3A_4 : i32
    "tpu.region"() ({
      %run_scoped3A = tpu.sem_alloc : memref<!tpu.dma_semaphore, #tpu.memory_space<semaphore_mem>>
      %dma_start3A = arith.constant 0 : i32
      %dma_start3A_99 = arith.constant 0 : i32
      %dma_start3A_100 = tpu.memref_slice %arg15[%dma_start3A, %dma_start3A_99] : memref<128x64xf32, #tpu.memory_space<vmem>> -> memref<128x64xf32, #tpu.memory_space<vmem>>
      %dma_start3A_101 = arith.constant 0 : i32
      %dma_start3A_102 = tpu.memref_slice %arg16[%add3A_5, %dma_start3A_101] : memref<10112x64xf32, #tpu.memory_space<vmem_shared>> -> memref<128x64xf32, #tpu.memory_space<vmem_shared>>
      %dma_start3A_103 = arith.constant 0 : i32
      %dma_start3A_104 = tpu.memref_slice %arg16[%add3A_5, %dma_start3A_103] : memref<10112x64xf32, #tpu.memory_space<vmem_shared>> -> memref<128x64xf32, #tpu.memory_space<vmem_shared>>
      %dma_start3A_105 = arith.constant 0 : i32
      %dma_start3A_106 = arith.constant 0 : i32
      %dma_start3A_107 = tpu.memref_slice %arg15[%dma_start3A_105, %dma_start3A_106] : memref<128x64xf32, #tpu.memory_space<vmem>> -> memref<128x64xf32, #tpu.memory_space<vmem>>
      tpu.enqueue_dma source(%dma_start3A_107 : memref<128x64xf32, #tpu.memory_space<vmem>>) target(%dma_start3A_104 : memref<128x64xf32, #tpu.memory_space<vmem_shared>>) target_semaphore(%run_scoped3A : memref<!tpu.dma_semaphore, #tpu.memory_space<semaphore_mem>>)
      %dma_wait3A_108 = arith.constant 0 : i32
      %dma_wait3A_109 = arith.constant 0 : i32
      %dma_wait3A_110 = tpu.memref_slice %arg15[%dma_wait3A_108, %dma_wait3A_109] : memref<128x64xf32, #tpu.memory_space<vmem>> -> memref<128x64xf32, #tpu.memory_space<vmem>>
      %dma_wait3A_111 = arith.constant 0 : i32
      %dma_wait3A_112 = tpu.memref_slice %arg16[%add3A_5, %dma_wait3A_111] : memref<10112x64xf32, #tpu.memory_space<vmem_shared>> -> memref<128x64xf32, #tpu.memory_space<vmem_shared>>
      %dma_wait3A_113 = arith.constant 0 : i32
      %dma_wait3A_114 = tpu.memref_slice %arg16[%add3A_5, %dma_wait3A_113] : memref<10112x64xf32, #tpu.memory_space<vmem_shared>> -> memref<128x64xf32, #tpu.memory_space<vmem_shared>>
      %dma_wait3A_115 = arith.constant 0 : i32
      %dma_wait3A_116 = arith.constant 0 : i32
      %dma_wait3A_117 = tpu.memref_slice %arg15[%dma_wait3A_115, %dma_wait3A_116] : memref<128x64xf32, #tpu.memory_space<vmem>> -> memref<128x64xf32, #tpu.memory_space<vmem>>
      tpu.wait_dma2 semaphore(%run_scoped3A : memref<!tpu.dma_semaphore, #tpu.memory_space<semaphore_mem>>) src(%dma_wait3A_117 : memref<128x64xf32, #tpu.memory_space<vmem>>) dst(%dma_wait3A_114 : memref<128x64xf32, #tpu.memory_space<vmem_shared>>)
      tpu.yield
    }) : () -> ()
    %add3A_6 = arith.constant 384 : i32
    %add3A_7 = arith.addi %mul3A_0, %add3A_6 : i32
    "tpu.region"() ({
      %run_scoped3A = tpu.sem_alloc : memref<!tpu.dma_semaphore, #tpu.memory_space<semaphore_mem>>
      %dma_start3A = arith.constant 0 : i32
      %dma_start3A_99 = arith.constant 0 : i32
      %dma_start3A_100 = tpu.memref_slice %arg15[%dma_start3A, %dma_start3A_99] : memref<128x64xf32, #tpu.memory_space<vmem>> -> memref<128x64xf32, #tpu.memory_space<vmem>>
      %dma_start3A_101 = arith.constant 0 : i32
      %dma_start3A_102 = tpu.memref_slice %arg16[%add3A_7, %dma_start3A_101] : memref<10112x64xf32, #tpu.memory_space<vmem_shared>> -> memref<128x64xf32, #tpu.memory_space<vmem_shared>>
      %dma_start3A_103 = arith.constant 0 : i32
      %dma_start3A_104 = tpu.memref_slice %arg16[%add3A_7, %dma_start3A_103] : memref<10112x64xf32, #tpu.memory_space<vmem_shared>> -> memref<128x64xf32, #tpu.memory_space<vmem_shared>>
      %dma_start3A_105 = arith.constant 0 : i32
      %dma_start3A_106 = arith.constant 0 : i32
      %dma_start3A_107 = tpu.memref_slice %arg15[%dma_start3A_105, %dma_start3A_106] : memref<128x64xf32, #tpu.memory_space<vmem>> -> memref<128x64xf32, #tpu.memory_space<vmem>>
      tpu.enqueue_dma source(%dma_start3A_107 : memref<128x64xf32, #tpu.memory_space<vmem>>) target(%dma_start3A_104 : memref<128x64xf32, #tpu.memory_space<vmem_shared>>) target_semaphore(%run_scoped3A : memref<!tpu.dma_semaphore, #tpu.memory_space<semaphore_mem>>)
      %dma_wait3A_108 = arith.constant 0 : i32
      %dma_wait3A_109 = arith.constant 0 : i32
      %dma_wait3A_110 = tpu.memref_slice %arg15[%dma_wait3A_108, %dma_wait3A_109] : memref<128x64xf32, #tpu.memory_space<vmem>> -> memref<128x64xf32, #tpu.memory_space<vmem>>
      %dma_wait3A_111 = arith.constant 0 : i32
      %dma_wait3A_112 = tpu.memref_slice %arg16[%add3A_7, %dma_wait3A_111] : memref<10112x64xf32, #tpu.memory_space<vmem_shared>> -> memref<128x64xf32, #tpu.memory_space<vmem_shared>>
      %dma_wait3A_113 = arith.constant 0 : i32
      %dma_wait3A_114 = tpu.memref_slice %arg16[%add3A_7, %dma_wait3A_113] : memref<10112x64xf32, #tpu.memory_space<vmem_shared>> -> memref<128x64xf32, #tpu.memory_space<vmem_shared>>
      %dma_wait3A_115 = arith.constant 0 : i32
      %dma_wait3A_116 = arith.constant 0 : i32
      %dma_wait3A_117 = tpu.memref_slice %arg15[%dma_wait3A_115, %dma_wait3A_116] : memref<128x64xf32, #tpu.memory_space<vmem>> -> memref<128x64xf32, #tpu.memory_space<vmem>>
      tpu.wait_dma2 semaphore(%run_scoped3A : memref<!tpu.dma_semaphore, #tpu.memory_space<semaphore_mem>>) src(%dma_wait3A_117 : memref<128x64xf32, #tpu.memory_space<vmem>>) dst(%dma_wait3A_114 : memref<128x64xf32, #tpu.memory_space<vmem_shared>>)
      tpu.yield
    }) : () -> ()
    %add3A_8 = arith.constant 512 : i32
    %add3A_9 = arith.addi %mul3A_0, %add3A_8 : i32
    "tpu.region"() ({
      %run_scoped3A = tpu.sem_alloc : memref<!tpu.dma_semaphore, #tpu.memory_space<semaphore_mem>>
      %dma_start3A = arith.constant 0 : i32
      %dma_start3A_99 = arith.constant 0 : i32
      %dma_start3A_100 = tpu.memref_slice %arg15[%dma_start3A, %dma_start3A_99] : memref<128x64xf32, #tpu.memory_space<vmem>> -> memref<120x64xf32, #tpu.memory_space<vmem>>
      %dma_start3A_101 = arith.constant 0 : i32
      %dma_start3A_102 = tpu.memref_slice %arg16[%add3A_9, %dma_start3A_101] : memref<10112x64xf32, #tpu.memory_space<vmem_shared>> -> memref<120x64xf32, #tpu.memory_space<vmem_shared>>
      %dma_start3A_103 = arith.constant 0 : i32
      %dma_start3A_104 = tpu.memref_slice %arg16[%add3A_9, %dma_start3A_103] : memref<10112x64xf32, #tpu.memory_space<vmem_shared>> -> memref<120x64xf32, #tpu.memory_space<vmem_shared>>
      %dma_start3A_105 = arith.constant 0 : i32
      %dma_start3A_106 = arith.constant 0 : i32
      %dma_start3A_107 = tpu.memref_slice %arg15[%dma_start3A_105, %dma_start3A_106] : memref<128x64xf32, #tpu.memory_space<vmem>> -> memref<120x64xf32, #tpu.memory_space<vmem>>
      tpu.enqueue_dma source(%dma_start3A_107 : memref<120x64xf32, #tpu.memory_space<vmem>>) target(%dma_start3A_104 : memref<120x64xf32, #tpu.memory_space<vmem_shared>>) target_semaphore(%run_scoped3A : memref<!tpu.dma_semaphore, #tpu.memory_space<semaphore_mem>>)
      %dma_wait3A_108 = arith.constant 0 : i32
      %dma_wait3A_109 = arith.constant 0 : i32
      %dma_wait3A_110 = tpu.memref_slice %arg15[%dma_wait3A_108, %dma_wait3A_109] : memref<128x64xf32, #tpu.memory_space<vmem>> -> memref<120x64xf32, #tpu.memory_space<vmem>>
      %dma_wait3A_111 = arith.constant 0 : i32
      %dma_wait3A_112 = tpu.memref_slice %arg16[%add3A_9, %dma_wait3A_111] : memref<10112x64xf32, #tpu.memory_space<vmem_shared>> -> memref<120x64xf32, #tpu.memory_space<vmem_shared>>
      %dma_wait3A_113 = arith.constant 0 : i32
      %dma_wait3A_114 = tpu.memref_slice %arg16[%add3A_9, %dma_wait3A_113] : memref<10112x64xf32, #tpu.memory_space<vmem_shared>> -> memref<120x64xf32, #tpu.memory_space<vmem_shared>>
      %dma_wait3A_115 = arith.constant 0 : i32
      %dma_wait3A_116 = arith.constant 0 : i32
      %dma_wait3A_117 = tpu.memref_slice %arg15[%dma_wait3A_115, %dma_wait3A_116] : memref<128x64xf32, #tpu.memory_space<vmem>> -> memref<120x64xf32, #tpu.memory_space<vmem>>
      tpu.wait_dma2 semaphore(%run_scoped3A : memref<!tpu.dma_semaphore, #tpu.memory_space<semaphore_mem>>) src(%dma_wait3A_117 : memref<120x64xf32, #tpu.memory_space<vmem>>) dst(%dma_wait3A_114 : memref<120x64xf32, #tpu.memory_space<vmem_shared>>)
      tpu.yield
    }) : () -> ()
    %barrier3A = arith.constant 0 : index
    tpu.barrier barrier_id(%barrier3A)
    %scan3A = arith.constant 0 : i32
    %scan3A_10 = arith.constant 0 : i32
    %scan3A_11 = arith.constant 20 : i32
    %scan3A_12 = arith.addi %scan3A_10, %scan3A_11 : i32
    %scan3A_13 = arith.constant 1 : i32
    scf.for %scan3A_99 = %scan3A_10 to %scan3A_12 step %scan3A_13  : i32 {
      %gt3A = arith.constant 0 : i32
      %gt3A_100 = arith.cmpi sgt, %scan3A_99, %gt3A : i32
      %convert_element_type3A = arith.extui %gt3A_100 : i1 to i32
      %cond3A = arith.constant 0 : i32
      %cond3A_101 = arith.cmpi ne, %convert_element_type3A, %cond3A : i32
      scf.if %cond3A_101 {
        %dma_wait3A_394 = arith.constant 0 : i32
        %dma_wait3A_395 = arith.constant 1 : i32
        %dma_wait3A_396 = arith.constant 0 : i32
        %dma_wait3A_397 = tpu.memref_slice %arg6[%dma_wait3A_394, %dma_wait3A_395, %dma_wait3A_396] : memref<8x2x128xi32, #tpu.memory_space<vmem>> -> memref<1x1x128xi32, #tpu.memory_space<vmem>>
        %dma_wait3A_398 = tpu.memref_squeeze %dma_wait3A_397 : memref<1x1x128xi32, #tpu.memory_space<vmem>> -> memref<128xi32, #tpu.memory_space<vmem>>
        %dma_wait3A_399 = arith.constant 0 : i32
        %dma_wait3A_400 = arith.constant 0 : i32
        %dma_wait3A_401 = tpu.memref_slice %arg16[%dma_wait3A_399, %dma_wait3A_400] : memref<10112x64xf32, #tpu.memory_space<vmem_shared>> -> memref<10112x64xf32, #tpu.memory_space<vmem_shared>>
        tpu.wait_indirect_dma semaphore(%arg25 : memref<!tpu.dma_semaphore, #tpu.memory_space<semaphore_mem>>) src(%arg7 : memref<128x64xf32, #tpu.memory_space<vmem>>) dst(%dma_wait3A_401 : memref<10112x64xf32, #tpu.memory_space<vmem_shared>>)
      } else {
      }
      %gt3A_102 = arith.constant 0 : i32
      %gt3A_103 = arith.cmpi sgt, %scan3A_99, %gt3A_102 : i32
      %convert_element_type3A_104 = arith.extui %gt3A_103 : i1 to i32
      %cond3A_105 = arith.constant 0 : i32
      %cond3A_106 = arith.cmpi ne, %convert_element_type3A_104, %cond3A_105 : i32
      scf.if %cond3A_106 {
        %dma_wait3A_394 = arith.constant 1 : i32
        %dma_wait3A_395 = arith.constant 1 : i32
        %dma_wait3A_396 = arith.constant 0 : i32
        %dma_wait3A_397 = tpu.memref_slice %arg6[%dma_wait3A_394, %dma_wait3A_395, %dma_wait3A_396] : memref<8x2x128xi32, #tpu.memory_space<vmem>> -> memref<1x1x128xi32, #tpu.memory_space<vmem>>
        %dma_wait3A_398 = tpu.memref_squeeze %dma_wait3A_397 : memref<1x1x128xi32, #tpu.memory_space<vmem>> -> memref<128xi32, #tpu.memory_space<vmem>>
        %dma_wait3A_399 = arith.constant 0 : i32
        %dma_wait3A_400 = arith.constant 0 : i32
        %dma_wait3A_401 = tpu.memref_slice %arg16[%dma_wait3A_399, %dma_wait3A_400] : memref<10112x64xf32, #tpu.memory_space<vmem_shared>> -> memref<10112x64xf32, #tpu.memory_space<vmem_shared>>
        tpu.wait_indirect_dma semaphore(%arg26 : memref<!tpu.dma_semaphore, #tpu.memory_space<semaphore_mem>>) src(%arg8 : memref<128x64xf32, #tpu.memory_space<vmem>>) dst(%dma_wait3A_401 : memref<10112x64xf32, #tpu.memory_space<vmem_shared>>)
      } else {
      }
      %gt3A_107 = arith.constant 0 : i32
      %gt3A_108 = arith.cmpi sgt, %scan3A_99, %gt3A_107 : i32
      %convert_element_type3A_109 = arith.extui %gt3A_108 : i1 to i32
      %cond3A_110 = arith.constant 0 : i32
      %cond3A_111 = arith.cmpi ne, %convert_element_type3A_109, %cond3A_110 : i32
      scf.if %cond3A_111 {
        %dma_wait3A_394 = arith.constant 2 : i32
        %dma_wait3A_395 = arith.constant 1 : i32
        %dma_wait3A_396 = arith.constant 0 : i32
        %dma_wait3A_397 = tpu.memref_slice %arg6[%dma_wait3A_394, %dma_wait3A_395, %dma_wait3A_396] : memref<8x2x128xi32, #tpu.memory_space<vmem>> -> memref<1x1x128xi32, #tpu.memory_space<vmem>>
        %dma_wait3A_398 = tpu.memref_squeeze %dma_wait3A_397 : memref<1x1x128xi32, #tpu.memory_space<vmem>> -> memref<128xi32, #tpu.memory_space<vmem>>
        %dma_wait3A_399 = arith.constant 0 : i32
        %dma_wait3A_400 = arith.constant 0 : i32
        %dma_wait3A_401 = tpu.memref_slice %arg16[%dma_wait3A_399, %dma_wait3A_400] : memref<10112x64xf32, #tpu.memory_space<vmem_shared>> -> memref<10112x64xf32, #tpu.memory_space<vmem_shared>>
        tpu.wait_indirect_dma semaphore(%arg27 : memref<!tpu.dma_semaphore, #tpu.memory_space<semaphore_mem>>) src(%arg9 : memref<128x64xf32, #tpu.memory_space<vmem>>) dst(%dma_wait3A_401 : memref<10112x64xf32, #tpu.memory_space<vmem_shared>>)
      } else {
      }
      %gt3A_112 = arith.constant 0 : i32
      %gt3A_113 = arith.cmpi sgt, %scan3A_99, %gt3A_112 : i32
      %convert_element_type3A_114 = arith.extui %gt3A_113 : i1 to i32
      %cond3A_115 = arith.constant 0 : i32
      %cond3A_116 = arith.cmpi ne, %convert_element_type3A_114, %cond3A_115 : i32
      scf.if %cond3A_116 {
        %dma_wait3A_394 = arith.constant 3 : i32
        %dma_wait3A_395 = arith.constant 1 : i32
        %dma_wait3A_396 = arith.constant 0 : i32
        %dma_wait3A_397 = tpu.memref_slice %arg6[%dma_wait3A_394, %dma_wait3A_395, %dma_wait3A_396] : memref<8x2x128xi32, #tpu.memory_space<vmem>> -> memref<1x1x128xi32, #tpu.memory_space<vmem>>
        %dma_wait3A_398 = tpu.memref_squeeze %dma_wait3A_397 : memref<1x1x128xi32, #tpu.memory_space<vmem>> -> memref<128xi32, #tpu.memory_space<vmem>>
        %dma_wait3A_399 = arith.constant 0 : i32
        %dma_wait3A_400 = arith.constant 0 : i32
        %dma_wait3A_401 = tpu.memref_slice %arg16[%dma_wait3A_399, %dma_wait3A_400] : memref<10112x64xf32, #tpu.memory_space<vmem_shared>> -> memref<10112x64xf32, #tpu.memory_space<vmem_shared>>
        tpu.wait_indirect_dma semaphore(%arg28 : memref<!tpu.dma_semaphore, #tpu.memory_space<semaphore_mem>>) src(%arg10 : memref<128x64xf32, #tpu.memory_space<vmem>>) dst(%dma_wait3A_401 : memref<10112x64xf32, #tpu.memory_space<vmem_shared>>)
      } else {
      }
      %gt3A_117 = arith.constant 0 : i32
      %gt3A_118 = arith.cmpi sgt, %scan3A_99, %gt3A_117 : i32
      %convert_element_type3A_119 = arith.extui %gt3A_118 : i1 to i32
      %cond3A_120 = arith.constant 0 : i32
      %cond3A_121 = arith.cmpi ne, %convert_element_type3A_119, %cond3A_120 : i32
      scf.if %cond3A_121 {
        %dma_wait3A_394 = arith.constant 4 : i32
        %dma_wait3A_395 = arith.constant 1 : i32
        %dma_wait3A_396 = arith.constant 0 : i32
        %dma_wait3A_397 = tpu.memref_slice %arg6[%dma_wait3A_394, %dma_wait3A_395, %dma_wait3A_396] : memref<8x2x128xi32, #tpu.memory_space<vmem>> -> memref<1x1x128xi32, #tpu.memory_space<vmem>>
        %dma_wait3A_398 = tpu.memref_squeeze %dma_wait3A_397 : memref<1x1x128xi32, #tpu.memory_space<vmem>> -> memref<128xi32, #tpu.memory_space<vmem>>
        %dma_wait3A_399 = arith.constant 0 : i32
        %dma_wait3A_400 = arith.constant 0 : i32
        %dma_wait3A_401 = tpu.memref_slice %arg16[%dma_wait3A_399, %dma_wait3A_400] : memref<10112x64xf32, #tpu.memory_space<vmem_shared>> -> memref<10112x64xf32, #tpu.memory_space<vmem_shared>>
        tpu.wait_indirect_dma semaphore(%arg29 : memref<!tpu.dma_semaphore, #tpu.memory_space<semaphore_mem>>) src(%arg11 : memref<128x64xf32, #tpu.memory_space<vmem>>) dst(%dma_wait3A_401 : memref<10112x64xf32, #tpu.memory_space<vmem_shared>>)
      } else {
      }
      %gt3A_122 = arith.constant 0 : i32
      %gt3A_123 = arith.cmpi sgt, %scan3A_99, %gt3A_122 : i32
      %convert_element_type3A_124 = arith.extui %gt3A_123 : i1 to i32
      %cond3A_125 = arith.constant 0 : i32
      %cond3A_126 = arith.cmpi ne, %convert_element_type3A_124, %cond3A_125 : i32
      scf.if %cond3A_126 {
        %dma_wait3A_394 = arith.constant 5 : i32
        %dma_wait3A_395 = arith.constant 1 : i32
        %dma_wait3A_396 = arith.constant 0 : i32
        %dma_wait3A_397 = tpu.memref_slice %arg6[%dma_wait3A_394, %dma_wait3A_395, %dma_wait3A_396] : memref<8x2x128xi32, #tpu.memory_space<vmem>> -> memref<1x1x128xi32, #tpu.memory_space<vmem>>
        %dma_wait3A_398 = tpu.memref_squeeze %dma_wait3A_397 : memref<1x1x128xi32, #tpu.memory_space<vmem>> -> memref<128xi32, #tpu.memory_space<vmem>>
        %dma_wait3A_399 = arith.constant 0 : i32
        %dma_wait3A_400 = arith.constant 0 : i32
        %dma_wait3A_401 = tpu.memref_slice %arg16[%dma_wait3A_399, %dma_wait3A_400] : memref<10112x64xf32, #tpu.memory_space<vmem_shared>> -> memref<10112x64xf32, #tpu.memory_space<vmem_shared>>
        tpu.wait_indirect_dma semaphore(%arg30 : memref<!tpu.dma_semaphore, #tpu.memory_space<semaphore_mem>>) src(%arg12 : memref<128x64xf32, #tpu.memory_space<vmem>>) dst(%dma_wait3A_401 : memref<10112x64xf32, #tpu.memory_space<vmem_shared>>)
      } else {
      }
      %gt3A_127 = arith.constant 0 : i32
      %gt3A_128 = arith.cmpi sgt, %scan3A_99, %gt3A_127 : i32
      %convert_element_type3A_129 = arith.extui %gt3A_128 : i1 to i32
      %cond3A_130 = arith.constant 0 : i32
      %cond3A_131 = arith.cmpi ne, %convert_element_type3A_129, %cond3A_130 : i32
      scf.if %cond3A_131 {
        %dma_wait3A_394 = arith.constant 6 : i32
        %dma_wait3A_395 = arith.constant 1 : i32
        %dma_wait3A_396 = arith.constant 0 : i32
        %dma_wait3A_397 = tpu.memref_slice %arg6[%dma_wait3A_394, %dma_wait3A_395, %dma_wait3A_396] : memref<8x2x128xi32, #tpu.memory_space<vmem>> -> memref<1x1x128xi32, #tpu.memory_space<vmem>>
        %dma_wait3A_398 = tpu.memref_squeeze %dma_wait3A_397 : memref<1x1x128xi32, #tpu.memory_space<vmem>> -> memref<128xi32, #tpu.memory_space<vmem>>
        %dma_wait3A_399 = arith.constant 0 : i32
        %dma_wait3A_400 = arith.constant 0 : i32
        %dma_wait3A_401 = tpu.memref_slice %arg16[%dma_wait3A_399, %dma_wait3A_400] : memref<10112x64xf32, #tpu.memory_space<vmem_shared>> -> memref<10112x64xf32, #tpu.memory_space<vmem_shared>>
        tpu.wait_indirect_dma semaphore(%arg31 : memref<!tpu.dma_semaphore, #tpu.memory_space<semaphore_mem>>) src(%arg13 : memref<128x64xf32, #tpu.memory_space<vmem>>) dst(%dma_wait3A_401 : memref<10112x64xf32, #tpu.memory_space<vmem_shared>>)
      } else {
      }
      %gt3A_132 = arith.constant 0 : i32
      %gt3A_133 = arith.cmpi sgt, %scan3A_99, %gt3A_132 : i32
      %convert_element_type3A_134 = arith.extui %gt3A_133 : i1 to i32
      %cond3A_135 = arith.constant 0 : i32
      %cond3A_136 = arith.cmpi ne, %convert_element_type3A_134, %cond3A_135 : i32
      scf.if %cond3A_136 {
        %dma_wait3A_394 = arith.constant 7 : i32
        %dma_wait3A_395 = arith.constant 1 : i32
        %dma_wait3A_396 = arith.constant 0 : i32
        %dma_wait3A_397 = tpu.memref_slice %arg6[%dma_wait3A_394, %dma_wait3A_395, %dma_wait3A_396] : memref<8x2x128xi32, #tpu.memory_space<vmem>> -> memref<1x1x128xi32, #tpu.memory_space<vmem>>
        %dma_wait3A_398 = tpu.memref_squeeze %dma_wait3A_397 : memref<1x1x128xi32, #tpu.memory_space<vmem>> -> memref<128xi32, #tpu.memory_space<vmem>>
        %dma_wait3A_399 = arith.constant 0 : i32
        %dma_wait3A_400 = arith.constant 0 : i32
        %dma_wait3A_401 = tpu.memref_slice %arg16[%dma_wait3A_399, %dma_wait3A_400] : memref<10112x64xf32, #tpu.memory_space<vmem_shared>> -> memref<10112x64xf32, #tpu.memory_space<vmem_shared>>
        tpu.wait_indirect_dma semaphore(%arg32 : memref<!tpu.dma_semaphore, #tpu.memory_space<semaphore_mem>>) src(%arg14 : memref<128x64xf32, #tpu.memory_space<vmem>>) dst(%dma_wait3A_401 : memref<10112x64xf32, #tpu.memory_space<vmem_shared>>)
      } else {
      }
      %mul3A_137 = arith.constant 8 : i32
      %mul3A_138 = arith.muli %scan3A_99, %mul3A_137 : i32
      "tpu.region"() ({
        %run_scoped3A = tpu.sem_alloc : memref<!tpu.dma_semaphore, #tpu.memory_space<semaphore_mem>>
        %dma_start3A_394 = arith.constant 0 : i32
        %dma_start3A_395 = arith.constant 0 : i32
        %dma_start3A_396 = tpu.memref_slice %arg3[%arg1, %mul3A_138, %dma_start3A_394, %dma_start3A_395] : memref<16x160x2x128xi32, #tpu.memory_space<hbm>> -> memref<1x8x2x128xi32, #tpu.memory_space<hbm>>
        %dma_start3A_397 = tpu.memref_squeeze %dma_start3A_396 : memref<1x8x2x128xi32, #tpu.memory_space<hbm>> -> memref<8x2x128xi32, #tpu.memory_space<hbm>>
        %dma_start3A_398 = arith.constant 0 : i32
        %dma_start3A_399 = arith.constant 0 : i32
        %dma_start3A_400 = tpu.memref_slice %arg3[%arg1, %mul3A_138, %dma_start3A_398, %dma_start3A_399] : memref<16x160x2x128xi32, #tpu.memory_space<hbm>> -> memref<1x8x2x128xi32, #tpu.memory_space<hbm>>
        %dma_start3A_401 = tpu.memref_squeeze %dma_start3A_400 : memref<1x8x2x128xi32, #tpu.memory_space<hbm>> -> memref<8x2x128xi32, #tpu.memory_space<hbm>>
        tpu.enqueue_dma source(%dma_start3A_401 : memref<8x2x128xi32, #tpu.memory_space<hbm>>) target(%arg6 : memref<8x2x128xi32, #tpu.memory_space<vmem>>) target_semaphore(%run_scoped3A : memref<!tpu.dma_semaphore, #tpu.memory_space<semaphore_mem>>)
        %dma_wait3A_402 = arith.constant 0 : i32
        %dma_wait3A_403 = arith.constant 0 : i32
        %dma_wait3A_404 = tpu.memref_slice %arg3[%arg1, %mul3A_138, %dma_wait3A_402, %dma_wait3A_403] : memref<16x160x2x128xi32, #tpu.memory_space<hbm>> -> memref<1x8x2x128xi32, #tpu.memory_space<hbm>>
        %dma_wait3A_405 = tpu.memref_squeeze %dma_wait3A_404 : memref<1x8x2x128xi32, #tpu.memory_space<hbm>> -> memref<8x2x128xi32, #tpu.memory_space<hbm>>
        %dma_wait3A_406 = arith.constant 0 : i32
        %dma_wait3A_407 = arith.constant 0 : i32
        %dma_wait3A_408 = tpu.memref_slice %arg3[%arg1, %mul3A_138, %dma_wait3A_406, %dma_wait3A_407] : memref<16x160x2x128xi32, #tpu.memory_space<hbm>> -> memref<1x8x2x128xi32, #tpu.memory_space<hbm>>
        %dma_wait3A_409 = tpu.memref_squeeze %dma_wait3A_408 : memref<1x8x2x128xi32, #tpu.memory_space<hbm>> -> memref<8x2x128xi32, #tpu.memory_space<hbm>>
        tpu.wait_dma2 semaphore(%run_scoped3A : memref<!tpu.dma_semaphore, #tpu.memory_space<semaphore_mem>>) src(%dma_wait3A_409 : memref<8x2x128xi32, #tpu.memory_space<hbm>>) dst(%arg6 : memref<8x2x128xi32, #tpu.memory_space<vmem>>)
        tpu.yield
      }) : () -> ()
      %dma_start3A = arith.constant 0 : i32
      %dma_start3A_139 = arith.constant 0 : i32
      %dma_start3A_140 = arith.constant 0 : i32
      %dma_start3A_141 = tpu.memref_slice %arg6[%dma_start3A, %dma_start3A_139, %dma_start3A_140] : memref<8x2x128xi32, #tpu.memory_space<vmem>> -> memref<1x1x128xi32, #tpu.memory_space<vmem>>
      %dma_start3A_142 = tpu.memref_squeeze %dma_start3A_141 : memref<1x1x128xi32, #tpu.memory_space<vmem>> -> memref<128xi32, #tpu.memory_space<vmem>>
      %dma_start3A_143 = arith.constant 0 : i32
      %dma_start3A_144 = arith.constant 0 : i32
      %dma_start3A_145 = tpu.memref_slice %arg2[%arg0, %dma_start3A_143, %dma_start3A_144] : memref<2x10000x64xf32, #tpu.memory_space<hbm>> -> memref<1x10000x64xf32, #tpu.memory_space<hbm>>
      %dma_start3A_146 = tpu.memref_squeeze %dma_start3A_145 : memref<1x10000x64xf32, #tpu.memory_space<hbm>> -> memref<10000x64xf32, #tpu.memory_space<hbm>>
      %dma_start3A_147 = arith.constant 0 : i32
      %dma_start3A_148 = arith.constant 0 : i32
      %dma_start3A_149 = tpu.memref_slice %dma_start3A_146[%dma_start3A_147, %dma_start3A_148] : memref<10000x64xf32, #tpu.memory_space<hbm>> -> memref<10000x64xf32, #tpu.memory_space<hbm>>
      tpu.enqueue_indirect_dma source(%dma_start3A_149 : memref<10000x64xf32, #tpu.memory_space<hbm>>) target(%arg7 : memref<128x64xf32, #tpu.memory_space<vmem>>) offsets(%dma_start3A_142 : memref<128xi32, #tpu.memory_space<vmem>>) semaphore(%arg17 : memref<!tpu.dma_semaphore, #tpu.memory_space<semaphore_mem>>)
      %dma_start3A_150 = arith.constant 1 : i32
      %dma_start3A_151 = arith.constant 0 : i32
      %dma_start3A_152 = arith.constant 0 : i32
      %dma_start3A_153 = tpu.memref_slice %arg6[%dma_start3A_150, %dma_start3A_151, %dma_start3A_152] : memref<8x2x128xi32, #tpu.memory_space<vmem>> -> memref<1x1x128xi32, #tpu.memory_space<vmem>>
      %dma_start3A_154 = tpu.memref_squeeze %dma_start3A_153 : memref<1x1x128xi32, #tpu.memory_space<vmem>> -> memref<128xi32, #tpu.memory_space<vmem>>
      %dma_start3A_155 = arith.constant 0 : i32
      %dma_start3A_156 = arith.constant 0 : i32
      %dma_start3A_157 = tpu.memref_slice %arg2[%arg0, %dma_start3A_155, %dma_start3A_156] : memref<2x10000x64xf32, #tpu.memory_space<hbm>> -> memref<1x10000x64xf32, #tpu.memory_space<hbm>>
      %dma_start3A_158 = tpu.memref_squeeze %dma_start3A_157 : memref<1x10000x64xf32, #tpu.memory_space<hbm>> -> memref<10000x64xf32, #tpu.memory_space<hbm>>
      %dma_start3A_159 = arith.constant 0 : i32
      %dma_start3A_160 = arith.constant 0 : i32
      %dma_start3A_161 = tpu.memref_slice %dma_start3A_158[%dma_start3A_159, %dma_start3A_160] : memref<10000x64xf32, #tpu.memory_space<hbm>> -> memref<10000x64xf32, #tpu.memory_space<hbm>>
      tpu.enqueue_indirect_dma source(%dma_start3A_161 : memref<10000x64xf32, #tpu.memory_space<hbm>>) target(%arg8 : memref<128x64xf32, #tpu.memory_space<vmem>>) offsets(%dma_start3A_154 : memref<128xi32, #tpu.memory_space<vmem>>) semaphore(%arg18 : memref<!tpu.dma_semaphore, #tpu.memory_space<semaphore_mem>>)
      %dma_start3A_162 = arith.constant 2 : i32
      %dma_start3A_163 = arith.constant 0 : i32
      %dma_start3A_164 = arith.constant 0 : i32
      %dma_start3A_165 = tpu.memref_slice %arg6[%dma_start3A_162, %dma_start3A_163, %dma_start3A_164] : memref<8x2x128xi32, #tpu.memory_space<vmem>> -> memref<1x1x128xi32, #tpu.memory_space<vmem>>
      %dma_start3A_166 = tpu.memref_squeeze %dma_start3A_165 : memref<1x1x128xi32, #tpu.memory_space<vmem>> -> memref<128xi32, #tpu.memory_space<vmem>>
      %dma_start3A_167 = arith.constant 0 : i32
      %dma_start3A_168 = arith.constant 0 : i32
      %dma_start3A_169 = tpu.memref_slice %arg2[%arg0, %dma_start3A_167, %dma_start3A_168] : memref<2x10000x64xf32, #tpu.memory_space<hbm>> -> memref<1x10000x64xf32, #tpu.memory_space<hbm>>
      %dma_start3A_170 = tpu.memref_squeeze %dma_start3A_169 : memref<1x10000x64xf32, #tpu.memory_space<hbm>> -> memref<10000x64xf32, #tpu.memory_space<hbm>>
      %dma_start3A_171 = arith.constant 0 : i32
      %dma_start3A_172 = arith.constant 0 : i32
      %dma_start3A_173 = tpu.memref_slice %dma_start3A_170[%dma_start3A_171, %dma_start3A_172] : memref<10000x64xf32, #tpu.memory_space<hbm>> -> memref<10000x64xf32, #tpu.memory_space<hbm>>
      tpu.enqueue_indirect_dma source(%dma_start3A_173 : memref<10000x64xf32, #tpu.memory_space<hbm>>) target(%arg9 : memref<128x64xf32, #tpu.memory_space<vmem>>) offsets(%dma_start3A_166 : memref<128xi32, #tpu.memory_space<vmem>>) semaphore(%arg19 : memref<!tpu.dma_semaphore, #tpu.memory_space<semaphore_mem>>)
      %dma_start3A_174 = arith.constant 3 : i32
      %dma_start3A_175 = arith.constant 0 : i32
      %dma_start3A_176 = arith.constant 0 : i32
      %dma_start3A_177 = tpu.memref_slice %arg6[%dma_start3A_174, %dma_start3A_175, %dma_start3A_176] : memref<8x2x128xi32, #tpu.memory_space<vmem>> -> memref<1x1x128xi32, #tpu.memory_space<vmem>>
      %dma_start3A_178 = tpu.memref_squeeze %dma_start3A_177 : memref<1x1x128xi32, #tpu.memory_space<vmem>> -> memref<128xi32, #tpu.memory_space<vmem>>
      %dma_start3A_179 = arith.constant 0 : i32
      %dma_start3A_180 = arith.constant 0 : i32
      %dma_start3A_181 = tpu.memref_slice %arg2[%arg0, %dma_start3A_179, %dma_start3A_180] : memref<2x10000x64xf32, #tpu.memory_space<hbm>> -> memref<1x10000x64xf32, #tpu.memory_space<hbm>>
      %dma_start3A_182 = tpu.memref_squeeze %dma_start3A_181 : memref<1x10000x64xf32, #tpu.memory_space<hbm>> -> memref<10000x64xf32, #tpu.memory_space<hbm>>
      %dma_start3A_183 = arith.constant 0 : i32
      %dma_start3A_184 = arith.constant 0 : i32
      %dma_start3A_185 = tpu.memref_slice %dma_start3A_182[%dma_start3A_183, %dma_start3A_184] : memref<10000x64xf32, #tpu.memory_space<hbm>> -> memref<10000x64xf32, #tpu.memory_space<hbm>>
      tpu.enqueue_indirect_dma source(%dma_start3A_185 : memref<10000x64xf32, #tpu.memory_space<hbm>>) target(%arg10 : memref<128x64xf32, #tpu.memory_space<vmem>>) offsets(%dma_start3A_178 : memref<128xi32, #tpu.memory_space<vmem>>) semaphore(%arg20 : memref<!tpu.dma_semaphore, #tpu.memory_space<semaphore_mem>>)
      %dma_start3A_186 = arith.constant 4 : i32
      %dma_start3A_187 = arith.constant 0 : i32
      %dma_start3A_188 = arith.constant 0 : i32
      %dma_start3A_189 = tpu.memref_slice %arg6[%dma_start3A_186, %dma_start3A_187, %dma_start3A_188] : memref<8x2x128xi32, #tpu.memory_space<vmem>> -> memref<1x1x128xi32, #tpu.memory_space<vmem>>
      %dma_start3A_190 = tpu.memref_squeeze %dma_start3A_189 : memref<1x1x128xi32, #tpu.memory_space<vmem>> -> memref<128xi32, #tpu.memory_space<vmem>>
      %dma_start3A_191 = arith.constant 0 : i32
      %dma_start3A_192 = arith.constant 0 : i32
      %dma_start3A_193 = tpu.memref_slice %arg2[%arg0, %dma_start3A_191, %dma_start3A_192] : memref<2x10000x64xf32, #tpu.memory_space<hbm>> -> memref<1x10000x64xf32, #tpu.memory_space<hbm>>
      %dma_start3A_194 = tpu.memref_squeeze %dma_start3A_193 : memref<1x10000x64xf32, #tpu.memory_space<hbm>> -> memref<10000x64xf32, #tpu.memory_space<hbm>>
      %dma_start3A_195 = arith.constant 0 : i32
      %dma_start3A_196 = arith.constant 0 : i32
      %dma_start3A_197 = tpu.memref_slice %dma_start3A_194[%dma_start3A_195, %dma_start3A_196] : memref<10000x64xf32, #tpu.memory_space<hbm>> -> memref<10000x64xf32, #tpu.memory_space<hbm>>
      tpu.enqueue_indirect_dma source(%dma_start3A_197 : memref<10000x64xf32, #tpu.memory_space<hbm>>) target(%arg11 : memref<128x64xf32, #tpu.memory_space<vmem>>) offsets(%dma_start3A_190 : memref<128xi32, #tpu.memory_space<vmem>>) semaphore(%arg21 : memref<!tpu.dma_semaphore, #tpu.memory_space<semaphore_mem>>)
      %dma_start3A_198 = arith.constant 5 : i32
      %dma_start3A_199 = arith.constant 0 : i32
      %dma_start3A_200 = arith.constant 0 : i32
      %dma_start3A_201 = tpu.memref_slice %arg6[%dma_start3A_198, %dma_start3A_199, %dma_start3A_200] : memref<8x2x128xi32, #tpu.memory_space<vmem>> -> memref<1x1x128xi32, #tpu.memory_space<vmem>>
      %dma_start3A_202 = tpu.memref_squeeze %dma_start3A_201 : memref<1x1x128xi32, #tpu.memory_space<vmem>> -> memref<128xi32, #tpu.memory_space<vmem>>
      %dma_start3A_203 = arith.constant 0 : i32
      %dma_start3A_204 = arith.constant 0 : i32
      %dma_start3A_205 = tpu.memref_slice %arg2[%arg0, %dma_start3A_203, %dma_start3A_204] : memref<2x10000x64xf32, #tpu.memory_space<hbm>> -> memref<1x10000x64xf32, #tpu.memory_space<hbm>>
      %dma_start3A_206 = tpu.memref_squeeze %dma_start3A_205 : memref<1x10000x64xf32, #tpu.memory_space<hbm>> -> memref<10000x64xf32, #tpu.memory_space<hbm>>
      %dma_start3A_207 = arith.constant 0 : i32
      %dma_start3A_208 = arith.constant 0 : i32
      %dma_start3A_209 = tpu.memref_slice %dma_start3A_206[%dma_start3A_207, %dma_start3A_208] : memref<10000x64xf32, #tpu.memory_space<hbm>> -> memref<10000x64xf32, #tpu.memory_space<hbm>>
      tpu.enqueue_indirect_dma source(%dma_start3A_209 : memref<10000x64xf32, #tpu.memory_space<hbm>>) target(%arg12 : memref<128x64xf32, #tpu.memory_space<vmem>>) offsets(%dma_start3A_202 : memref<128xi32, #tpu.memory_space<vmem>>) semaphore(%arg22 : memref<!tpu.dma_semaphore, #tpu.memory_space<semaphore_mem>>)
      %dma_start3A_210 = arith.constant 6 : i32
      %dma_start3A_211 = arith.constant 0 : i32
      %dma_start3A_212 = arith.constant 0 : i32
      %dma_start3A_213 = tpu.memref_slice %arg6[%dma_start3A_210, %dma_start3A_211, %dma_start3A_212] : memref<8x2x128xi32, #tpu.memory_space<vmem>> -> memref<1x1x128xi32, #tpu.memory_space<vmem>>
      %dma_start3A_214 = tpu.memref_squeeze %dma_start3A_213 : memref<1x1x128xi32, #tpu.memory_space<vmem>> -> memref<128xi32, #tpu.memory_space<vmem>>
      %dma_start3A_215 = arith.constant 0 : i32
      %dma_start3A_216 = arith.constant 0 : i32
      %dma_start3A_217 = tpu.memref_slice %arg2[%arg0, %dma_start3A_215, %dma_start3A_216] : memref<2x10000x64xf32, #tpu.memory_space<hbm>> -> memref<1x10000x64xf32, #tpu.memory_space<hbm>>
      %dma_start3A_218 = tpu.memref_squeeze %dma_start3A_217 : memref<1x10000x64xf32, #tpu.memory_space<hbm>> -> memref<10000x64xf32, #tpu.memory_space<hbm>>
      %dma_start3A_219 = arith.constant 0 : i32
      %dma_start3A_220 = arith.constant 0 : i32
      %dma_start3A_221 = tpu.memref_slice %dma_start3A_218[%dma_start3A_219, %dma_start3A_220] : memref<10000x64xf32, #tpu.memory_space<hbm>> -> memref<10000x64xf32, #tpu.memory_space<hbm>>
      tpu.enqueue_indirect_dma source(%dma_start3A_221 : memref<10000x64xf32, #tpu.memory_space<hbm>>) target(%arg13 : memref<128x64xf32, #tpu.memory_space<vmem>>) offsets(%dma_start3A_214 : memref<128xi32, #tpu.memory_space<vmem>>) semaphore(%arg23 : memref<!tpu.dma_semaphore, #tpu.memory_space<semaphore_mem>>)
      %dma_start3A_222 = arith.constant 7 : i32
      %dma_start3A_223 = arith.constant 0 : i32
      %dma_start3A_224 = arith.constant 0 : i32
      %dma_start3A_225 = tpu.memref_slice %arg6[%dma_start3A_222, %dma_start3A_223, %dma_start3A_224] : memref<8x2x128xi32, #tpu.memory_space<vmem>> -> memref<1x1x128xi32, #tpu.memory_space<vmem>>
      %dma_start3A_226 = tpu.memref_squeeze %dma_start3A_225 : memref<1x1x128xi32, #tpu.memory_space<vmem>> -> memref<128xi32, #tpu.memory_space<vmem>>
      %dma_start3A_227 = arith.constant 0 : i32
      %dma_start3A_228 = arith.constant 0 : i32
      %dma_start3A_229 = tpu.memref_slice %arg2[%arg0, %dma_start3A_227, %dma_start3A_228] : memref<2x10000x64xf32, #tpu.memory_space<hbm>> -> memref<1x10000x64xf32, #tpu.memory_space<hbm>>
      %dma_start3A_230 = tpu.memref_squeeze %dma_start3A_229 : memref<1x10000x64xf32, #tpu.memory_space<hbm>> -> memref<10000x64xf32, #tpu.memory_space<hbm>>
      %dma_start3A_231 = arith.constant 0 : i32
      %dma_start3A_232 = arith.constant 0 : i32
      %dma_start3A_233 = tpu.memref_slice %dma_start3A_230[%dma_start3A_231, %dma_start3A_232] : memref<10000x64xf32, #tpu.memory_space<hbm>> -> memref<10000x64xf32, #tpu.memory_space<hbm>>
      tpu.enqueue_indirect_dma source(%dma_start3A_233 : memref<10000x64xf32, #tpu.memory_space<hbm>>) target(%arg14 : memref<128x64xf32, #tpu.memory_space<vmem>>) offsets(%dma_start3A_226 : memref<128xi32, #tpu.memory_space<vmem>>) semaphore(%arg24 : memref<!tpu.dma_semaphore, #tpu.memory_space<semaphore_mem>>)
      %dma_wait3A_234 = arith.constant 0 : i32
      %dma_wait3A_235 = arith.constant 0 : i32
      %dma_wait3A_236 = arith.constant 0 : i32
      %dma_wait3A_237 = tpu.memref_slice %arg6[%dma_wait3A_234, %dma_wait3A_235, %dma_wait3A_236] : memref<8x2x128xi32, #tpu.memory_space<vmem>> -> memref<1x1x128xi32, #tpu.memory_space<vmem>>
      %dma_wait3A_238 = tpu.memref_squeeze %dma_wait3A_237 : memref<1x1x128xi32, #tpu.memory_space<vmem>> -> memref<128xi32, #tpu.memory_space<vmem>>
      %dma_wait3A_239 = arith.constant 0 : i32
      %dma_wait3A_240 = arith.constant 0 : i32
      %dma_wait3A_241 = tpu.memref_slice %arg2[%arg0, %dma_wait3A_239, %dma_wait3A_240] : memref<2x10000x64xf32, #tpu.memory_space<hbm>> -> memref<1x10000x64xf32, #tpu.memory_space<hbm>>
      %dma_wait3A_242 = tpu.memref_squeeze %dma_wait3A_241 : memref<1x10000x64xf32, #tpu.memory_space<hbm>> -> memref<10000x64xf32, #tpu.memory_space<hbm>>
      %dma_wait3A_243 = arith.constant 0 : i32
      %dma_wait3A_244 = arith.constant 0 : i32
      %dma_wait3A_245 = tpu.memref_slice %dma_wait3A_242[%dma_wait3A_243, %dma_wait3A_244] : memref<10000x64xf32, #tpu.memory_space<hbm>> -> memref<10000x64xf32, #tpu.memory_space<hbm>>
      tpu.wait_indirect_dma semaphore(%arg17 : memref<!tpu.dma_semaphore, #tpu.memory_space<semaphore_mem>>) src(%dma_wait3A_245 : memref<10000x64xf32, #tpu.memory_space<hbm>>) dst(%arg7 : memref<128x64xf32, #tpu.memory_space<vmem>>)
      %dma_start3A_246 = arith.constant 0 : i32
      %dma_start3A_247 = arith.constant 1 : i32
      %dma_start3A_248 = arith.constant 0 : i32
      %dma_start3A_249 = tpu.memref_slice %arg6[%dma_start3A_246, %dma_start3A_247, %dma_start3A_248] : memref<8x2x128xi32, #tpu.memory_space<vmem>> -> memref<1x1x128xi32, #tpu.memory_space<vmem>>
      %dma_start3A_250 = tpu.memref_squeeze %dma_start3A_249 : memref<1x1x128xi32, #tpu.memory_space<vmem>> -> memref<128xi32, #tpu.memory_space<vmem>>
      %dma_start3A_251 = arith.constant 0 : i32
      %dma_start3A_252 = arith.constant 0 : i32
      %dma_start3A_253 = tpu.memref_slice %arg16[%dma_start3A_251, %dma_start3A_252] : memref<10112x64xf32, #tpu.memory_space<vmem_shared>> -> memref<10112x64xf32, #tpu.memory_space<vmem_shared>>
      tpu.enqueue_indirect_dma source(%arg7 : memref<128x64xf32, #tpu.memory_space<vmem>>) target(%dma_start3A_253 : memref<10112x64xf32, #tpu.memory_space<vmem_shared>>) offsets(%dma_start3A_250 : memref<128xi32, #tpu.memory_space<vmem>>) semaphore(%arg25 : memref<!tpu.dma_semaphore, #tpu.memory_space<semaphore_mem>>) {add = true}
      %dma_wait3A_254 = arith.constant 1 : i32
      %dma_wait3A_255 = arith.constant 0 : i32
      %dma_wait3A_256 = arith.constant 0 : i32
      %dma_wait3A_257 = tpu.memref_slice %arg6[%dma_wait3A_254, %dma_wait3A_255, %dma_wait3A_256] : memref<8x2x128xi32, #tpu.memory_space<vmem>> -> memref<1x1x128xi32, #tpu.memory_space<vmem>>
      %dma_wait3A_258 = tpu.memref_squeeze %dma_wait3A_257 : memref<1x1x128xi32, #tpu.memory_space<vmem>> -> memref<128xi32, #tpu.memory_space<vmem>>
      %dma_wait3A_259 = arith.constant 0 : i32
      %dma_wait3A_260 = arith.constant 0 : i32
      %dma_wait3A_261 = tpu.memref_slice %arg2[%arg0, %dma_wait3A_259, %dma_wait3A_260] : memref<2x10000x64xf32, #tpu.memory_space<hbm>> -> memref<1x10000x64xf32, #tpu.memory_space<hbm>>
      %dma_wait3A_262 = tpu.memref_squeeze %dma_wait3A_261 : memref<1x10000x64xf32, #tpu.memory_space<hbm>> -> memref<10000x64xf32, #tpu.memory_space<hbm>>
      %dma_wait3A_263 = arith.constant 0 : i32
      %dma_wait3A_264 = arith.constant 0 : i32
      %dma_wait3A_265 = tpu.memref_slice %dma_wait3A_262[%dma_wait3A_263, %dma_wait3A_264] : memref<10000x64xf32, #tpu.memory_space<hbm>> -> memref<10000x64xf32, #tpu.memory_space<hbm>>
      tpu.wait_indirect_dma semaphore(%arg18 : memref<!tpu.dma_semaphore, #tpu.memory_space<semaphore_mem>>) src(%dma_wait3A_265 : memref<10000x64xf32, #tpu.memory_space<hbm>>) dst(%arg8 : memref<128x64xf32, #tpu.memory_space<vmem>>)
      %dma_start3A_266 = arith.constant 1 : i32
      %dma_start3A_267 = arith.constant 1 : i32
      %dma_start3A_268 = arith.constant 0 : i32
      %dma_start3A_269 = tpu.memref_slice %arg6[%dma_start3A_266, %dma_start3A_267, %dma_start3A_268] : memref<8x2x128xi32, #tpu.memory_space<vmem>> -> memref<1x1x128xi32, #tpu.memory_space<vmem>>
      %dma_start3A_270 = tpu.memref_squeeze %dma_start3A_269 : memref<1x1x128xi32, #tpu.memory_space<vmem>> -> memref<128xi32, #tpu.memory_space<vmem>>
      %dma_start3A_271 = arith.constant 0 : i32
      %dma_start3A_272 = arith.constant 0 : i32
      %dma_start3A_273 = tpu.memref_slice %arg16[%dma_start3A_271, %dma_start3A_272] : memref<10112x64xf32, #tpu.memory_space<vmem_shared>> -> memref<10112x64xf32, #tpu.memory_space<vmem_shared>>
      tpu.enqueue_indirect_dma source(%arg8 : memref<128x64xf32, #tpu.memory_space<vmem>>) target(%dma_start3A_273 : memref<10112x64xf32, #tpu.memory_space<vmem_shared>>) offsets(%dma_start3A_270 : memref<128xi32, #tpu.memory_space<vmem>>) semaphore(%arg26 : memref<!tpu.dma_semaphore, #tpu.memory_space<semaphore_mem>>) {add = true}
      %dma_wait3A_274 = arith.constant 2 : i32
      %dma_wait3A_275 = arith.constant 0 : i32
      %dma_wait3A_276 = arith.constant 0 : i32
      %dma_wait3A_277 = tpu.memref_slice %arg6[%dma_wait3A_274, %dma_wait3A_275, %dma_wait3A_276] : memref<8x2x128xi32, #tpu.memory_space<vmem>> -> memref<1x1x128xi32, #tpu.memory_space<vmem>>
      %dma_wait3A_278 = tpu.memref_squeeze %dma_wait3A_277 : memref<1x1x128xi32, #tpu.memory_space<vmem>> -> memref<128xi32, #tpu.memory_space<vmem>>
      %dma_wait3A_279 = arith.constant 0 : i32
      %dma_wait3A_280 = arith.constant 0 : i32
      %dma_wait3A_281 = tpu.memref_slice %arg2[%arg0, %dma_wait3A_279, %dma_wait3A_280] : memref<2x10000x64xf32, #tpu.memory_space<hbm>> -> memref<1x10000x64xf32, #tpu.memory_space<hbm>>
      %dma_wait3A_282 = tpu.memref_squeeze %dma_wait3A_281 : memref<1x10000x64xf32, #tpu.memory_space<hbm>> -> memref<10000x64xf32, #tpu.memory_space<hbm>>
      %dma_wait3A_283 = arith.constant 0 : i32
      %dma_wait3A_284 = arith.constant 0 : i32
      %dma_wait3A_285 = tpu.memref_slice %dma_wait3A_282[%dma_wait3A_283, %dma_wait3A_284] : memref<10000x64xf32, #tpu.memory_space<hbm>> -> memref<10000x64xf32, #tpu.memory_space<hbm>>
      tpu.wait_indirect_dma semaphore(%arg19 : memref<!tpu.dma_semaphore, #tpu.memory_space<semaphore_mem>>) src(%dma_wait3A_285 : memref<10000x64xf32, #tpu.memory_space<hbm>>) dst(%arg9 : memref<128x64xf32, #tpu.memory_space<vmem>>)
      %dma_start3A_286 = arith.constant 2 : i32
      %dma_start3A_287 = arith.constant 1 : i32
      %dma_start3A_288 = arith.constant 0 : i32
      %dma_start3A_289 = tpu.memref_slice %arg6[%dma_start3A_286, %dma_start3A_287, %dma_start3A_288] : memref<8x2x128xi32, #tpu.memory_space<vmem>> -> memref<1x1x128xi32, #tpu.memory_space<vmem>>
      %dma_start3A_290 = tpu.memref_squeeze %dma_start3A_289 : memref<1x1x128xi32, #tpu.memory_space<vmem>> -> memref<128xi32, #tpu.memory_space<vmem>>
      %dma_start3A_291 = arith.constant 0 : i32
      %dma_start3A_292 = arith.constant 0 : i32
      %dma_start3A_293 = tpu.memref_slice %arg16[%dma_start3A_291, %dma_start3A_292] : memref<10112x64xf32, #tpu.memory_space<vmem_shared>> -> memref<10112x64xf32, #tpu.memory_space<vmem_shared>>
      tpu.enqueue_indirect_dma source(%arg9 : memref<128x64xf32, #tpu.memory_space<vmem>>) target(%dma_start3A_293 : memref<10112x64xf32, #tpu.memory_space<vmem_shared>>) offsets(%dma_start3A_290 : memref<128xi32, #tpu.memory_space<vmem>>) semaphore(%arg27 : memref<!tpu.dma_semaphore, #tpu.memory_space<semaphore_mem>>) {add = true}
      %dma_wait3A_294 = arith.constant 3 : i32
      %dma_wait3A_295 = arith.constant 0 : i32
      %dma_wait3A_296 = arith.constant 0 : i32
      %dma_wait3A_297 = tpu.memref_slice %arg6[%dma_wait3A_294, %dma_wait3A_295, %dma_wait3A_296] : memref<8x2x128xi32, #tpu.memory_space<vmem>> -> memref<1x1x128xi32, #tpu.memory_space<vmem>>
      %dma_wait3A_298 = tpu.memref_squeeze %dma_wait3A_297 : memref<1x1x128xi32, #tpu.memory_space<vmem>> -> memref<128xi32, #tpu.memory_space<vmem>>
      %dma_wait3A_299 = arith.constant 0 : i32
      %dma_wait3A_300 = arith.constant 0 : i32
      %dma_wait3A_301 = tpu.memref_slice %arg2[%arg0, %dma_wait3A_299, %dma_wait3A_300] : memref<2x10000x64xf32, #tpu.memory_space<hbm>> -> memref<1x10000x64xf32, #tpu.memory_space<hbm>>
      %dma_wait3A_302 = tpu.memref_squeeze %dma_wait3A_301 : memref<1x10000x64xf32, #tpu.memory_space<hbm>> -> memref<10000x64xf32, #tpu.memory_space<hbm>>
      %dma_wait3A_303 = arith.constant 0 : i32
      %dma_wait3A_304 = arith.constant 0 : i32
      %dma_wait3A_305 = tpu.memref_slice %dma_wait3A_302[%dma_wait3A_303, %dma_wait3A_304] : memref<10000x64xf32, #tpu.memory_space<hbm>> -> memref<10000x64xf32, #tpu.memory_space<hbm>>
      tpu.wait_indirect_dma semaphore(%arg20 : memref<!tpu.dma_semaphore, #tpu.memory_space<semaphore_mem>>) src(%dma_wait3A_305 : memref<10000x64xf32, #tpu.memory_space<hbm>>) dst(%arg10 : memref<128x64xf32, #tpu.memory_space<vmem>>)
      %dma_start3A_306 = arith.constant 3 : i32
      %dma_start3A_307 = arith.constant 1 : i32
      %dma_start3A_308 = arith.constant 0 : i32
      %dma_start3A_309 = tpu.memref_slice %arg6[%dma_start3A_306, %dma_start3A_307, %dma_start3A_308] : memref<8x2x128xi32, #tpu.memory_space<vmem>> -> memref<1x1x128xi32, #tpu.memory_space<vmem>>
      %dma_start3A_310 = tpu.memref_squeeze %dma_start3A_309 : memref<1x1x128xi32, #tpu.memory_space<vmem>> -> memref<128xi32, #tpu.memory_space<vmem>>
      %dma_start3A_311 = arith.constant 0 : i32
      %dma_start3A_312 = arith.constant 0 : i32
      %dma_start3A_313 = tpu.memref_slice %arg16[%dma_start3A_311, %dma_start3A_312] : memref<10112x64xf32, #tpu.memory_space<vmem_shared>> -> memref<10112x64xf32, #tpu.memory_space<vmem_shared>>
      tpu.enqueue_indirect_dma source(%arg10 : memref<128x64xf32, #tpu.memory_space<vmem>>) target(%dma_start3A_313 : memref<10112x64xf32, #tpu.memory_space<vmem_shared>>) offsets(%dma_start3A_310 : memref<128xi32, #tpu.memory_space<vmem>>) semaphore(%arg28 : memref<!tpu.dma_semaphore, #tpu.memory_space<semaphore_mem>>) {add = true}
      %dma_wait3A_314 = arith.constant 4 : i32
      %dma_wait3A_315 = arith.constant 0 : i32
      %dma_wait3A_316 = arith.constant 0 : i32
      %dma_wait3A_317 = tpu.memref_slice %arg6[%dma_wait3A_314, %dma_wait3A_315, %dma_wait3A_316] : memref<8x2x128xi32, #tpu.memory_space<vmem>> -> memref<1x1x128xi32, #tpu.memory_space<vmem>>
      %dma_wait3A_318 = tpu.memref_squeeze %dma_wait3A_317 : memref<1x1x128xi32, #tpu.memory_space<vmem>> -> memref<128xi32, #tpu.memory_space<vmem>>
      %dma_wait3A_319 = arith.constant 0 : i32
      %dma_wait3A_320 = arith.constant 0 : i32
      %dma_wait3A_321 = tpu.memref_slice %arg2[%arg0, %dma_wait3A_319, %dma_wait3A_320] : memref<2x10000x64xf32, #tpu.memory_space<hbm>> -> memref<1x10000x64xf32, #tpu.memory_space<hbm>>
      %dma_wait3A_322 = tpu.memref_squeeze %dma_wait3A_321 : memref<1x10000x64xf32, #tpu.memory_space<hbm>> -> memref<10000x64xf32, #tpu.memory_space<hbm>>
      %dma_wait3A_323 = arith.constant 0 : i32
      %dma_wait3A_324 = arith.constant 0 : i32
      %dma_wait3A_325 = tpu.memref_slice %dma_wait3A_322[%dma_wait3A_323, %dma_wait3A_324] : memref<10000x64xf32, #tpu.memory_space<hbm>> -> memref<10000x64xf32, #tpu.memory_space<hbm>>
      tpu.wait_indirect_dma semaphore(%arg21 : memref<!tpu.dma_semaphore, #tpu.memory_space<semaphore_mem>>) src(%dma_wait3A_325 : memref<10000x64xf32, #tpu.memory_space<hbm>>) dst(%arg11 : memref<128x64xf32, #tpu.memory_space<vmem>>)
      %dma_start3A_326 = arith.constant 4 : i32
      %dma_start3A_327 = arith.constant 1 : i32
      %dma_start3A_328 = arith.constant 0 : i32
      %dma_start3A_329 = tpu.memref_slice %arg6[%dma_start3A_326, %dma_start3A_327, %dma_start3A_328] : memref<8x2x128xi32, #tpu.memory_space<vmem>> -> memref<1x1x128xi32, #tpu.memory_space<vmem>>
      %dma_start3A_330 = tpu.memref_squeeze %dma_start3A_329 : memref<1x1x128xi32, #tpu.memory_space<vmem>> -> memref<128xi32, #tpu.memory_space<vmem>>
      %dma_start3A_331 = arith.constant 0 : i32
      %dma_start3A_332 = arith.constant 0 : i32
      %dma_start3A_333 = tpu.memref_slice %arg16[%dma_start3A_331, %dma_start3A_332] : memref<10112x64xf32, #tpu.memory_space<vmem_shared>> -> memref<10112x64xf32, #tpu.memory_space<vmem_shared>>
      tpu.enqueue_indirect_dma source(%arg11 : memref<128x64xf32, #tpu.memory_space<vmem>>) target(%dma_start3A_333 : memref<10112x64xf32, #tpu.memory_space<vmem_shared>>) offsets(%dma_start3A_330 : memref<128xi32, #tpu.memory_space<vmem>>) semaphore(%arg29 : memref<!tpu.dma_semaphore, #tpu.memory_space<semaphore_mem>>) {add = true}
      %dma_wait3A_334 = arith.constant 5 : i32
      %dma_wait3A_335 = arith.constant 0 : i32
      %dma_wait3A_336 = arith.constant 0 : i32
      %dma_wait3A_337 = tpu.memref_slice %arg6[%dma_wait3A_334, %dma_wait3A_335, %dma_wait3A_336] : memref<8x2x128xi32, #tpu.memory_space<vmem>> -> memref<1x1x128xi32, #tpu.memory_space<vmem>>
      %dma_wait3A_338 = tpu.memref_squeeze %dma_wait3A_337 : memref<1x1x128xi32, #tpu.memory_space<vmem>> -> memref<128xi32, #tpu.memory_space<vmem>>
      %dma_wait3A_339 = arith.constant 0 : i32
      %dma_wait3A_340 = arith.constant 0 : i32
      %dma_wait3A_341 = tpu.memref_slice %arg2[%arg0, %dma_wait3A_339, %dma_wait3A_340] : memref<2x10000x64xf32, #tpu.memory_space<hbm>> -> memref<1x10000x64xf32, #tpu.memory_space<hbm>>
      %dma_wait3A_342 = tpu.memref_squeeze %dma_wait3A_341 : memref<1x10000x64xf32, #tpu.memory_space<hbm>> -> memref<10000x64xf32, #tpu.memory_space<hbm>>
      %dma_wait3A_343 = arith.constant 0 : i32
      %dma_wait3A_344 = arith.constant 0 : i32
      %dma_wait3A_345 = tpu.memref_slice %dma_wait3A_342[%dma_wait3A_343, %dma_wait3A_344] : memref<10000x64xf32, #tpu.memory_space<hbm>> -> memref<10000x64xf32, #tpu.memory_space<hbm>>
      tpu.wait_indirect_dma semaphore(%arg22 : memref<!tpu.dma_semaphore, #tpu.memory_space<semaphore_mem>>) src(%dma_wait3A_345 : memref<10000x64xf32, #tpu.memory_space<hbm>>) dst(%arg12 : memref<128x64xf32, #tpu.memory_space<vmem>>)
      %dma_start3A_346 = arith.constant 5 : i32
      %dma_start3A_347 = arith.constant 1 : i32
      %dma_start3A_348 = arith.constant 0 : i32
      %dma_start3A_349 = tpu.memref_slice %arg6[%dma_start3A_346, %dma_start3A_347, %dma_start3A_348] : memref<8x2x128xi32, #tpu.memory_space<vmem>> -> memref<1x1x128xi32, #tpu.memory_space<vmem>>
      %dma_start3A_350 = tpu.memref_squeeze %dma_start3A_349 : memref<1x1x128xi32, #tpu.memory_space<vmem>> -> memref<128xi32, #tpu.memory_space<vmem>>
      %dma_start3A_351 = arith.constant 0 : i32
      %dma_start3A_352 = arith.constant 0 : i32
      %dma_start3A_353 = tpu.memref_slice %arg16[%dma_start3A_351, %dma_start3A_352] : memref<10112x64xf32, #tpu.memory_space<vmem_shared>> -> memref<10112x64xf32, #tpu.memory_space<vmem_shared>>
      tpu.enqueue_indirect_dma source(%arg12 : memref<128x64xf32, #tpu.memory_space<vmem>>) target(%dma_start3A_353 : memref<10112x64xf32, #tpu.memory_space<vmem_shared>>) offsets(%dma_start3A_350 : memref<128xi32, #tpu.memory_space<vmem>>) semaphore(%arg30 : memref<!tpu.dma_semaphore, #tpu.memory_space<semaphore_mem>>) {add = true}
      %dma_wait3A_354 = arith.constant 6 : i32
      %dma_wait3A_355 = arith.constant 0 : i32
      %dma_wait3A_356 = arith.constant 0 : i32
      %dma_wait3A_357 = tpu.memref_slice %arg6[%dma_wait3A_354, %dma_wait3A_355, %dma_wait3A_356] : memref<8x2x128xi32, #tpu.memory_space<vmem>> -> memref<1x1x128xi32, #tpu.memory_space<vmem>>
      %dma_wait3A_358 = tpu.memref_squeeze %dma_wait3A_357 : memref<1x1x128xi32, #tpu.memory_space<vmem>> -> memref<128xi32, #tpu.memory_space<vmem>>
      %dma_wait3A_359 = arith.constant 0 : i32
      %dma_wait3A_360 = arith.constant 0 : i32
      %dma_wait3A_361 = tpu.memref_slice %arg2[%arg0, %dma_wait3A_359, %dma_wait3A_360] : memref<2x10000x64xf32, #tpu.memory_space<hbm>> -> memref<1x10000x64xf32, #tpu.memory_space<hbm>>
      %dma_wait3A_362 = tpu.memref_squeeze %dma_wait3A_361 : memref<1x10000x64xf32, #tpu.memory_space<hbm>> -> memref<10000x64xf32, #tpu.memory_space<hbm>>
      %dma_wait3A_363 = arith.constant 0 : i32
      %dma_wait3A_364 = arith.constant 0 : i32
      %dma_wait3A_365 = tpu.memref_slice %dma_wait3A_362[%dma_wait3A_363, %dma_wait3A_364] : memref<10000x64xf32, #tpu.memory_space<hbm>> -> memref<10000x64xf32, #tpu.memory_space<hbm>>
      tpu.wait_indirect_dma semaphore(%arg23 : memref<!tpu.dma_semaphore, #tpu.memory_space<semaphore_mem>>) src(%dma_wait3A_365 : memref<10000x64xf32, #tpu.memory_space<hbm>>) dst(%arg13 : memref<128x64xf32, #tpu.memory_space<vmem>>)
      %dma_start3A_366 = arith.constant 6 : i32
      %dma_start3A_367 = arith.constant 1 : i32
      %dma_start3A_368 = arith.constant 0 : i32
      %dma_start3A_369 = tpu.memref_slice %arg6[%dma_start3A_366, %dma_start3A_367, %dma_start3A_368] : memref<8x2x128xi32, #tpu.memory_space<vmem>> -> memref<1x1x128xi32, #tpu.memory_space<vmem>>
      %dma_start3A_370 = tpu.memref_squeeze %dma_start3A_369 : memref<1x1x128xi32, #tpu.memory_space<vmem>> -> memref<128xi32, #tpu.memory_space<vmem>>
      %dma_start3A_371 = arith.constant 0 : i32
      %dma_start3A_372 = arith.constant 0 : i32
      %dma_start3A_373 = tpu.memref_slice %arg16[%dma_start3A_371, %dma_start3A_372] : memref<10112x64xf32, #tpu.memory_space<vmem_shared>> -> memref<10112x64xf32, #tpu.memory_space<vmem_shared>>
      tpu.enqueue_indirect_dma source(%arg13 : memref<128x64xf32, #tpu.memory_space<vmem>>) target(%dma_start3A_373 : memref<10112x64xf32, #tpu.memory_space<vmem_shared>>) offsets(%dma_start3A_370 : memref<128xi32, #tpu.memory_space<vmem>>) semaphore(%arg31 : memref<!tpu.dma_semaphore, #tpu.memory_space<semaphore_mem>>) {add = true}
      %dma_wait3A_374 = arith.constant 7 : i32
      %dma_wait3A_375 = arith.constant 0 : i32
      %dma_wait3A_376 = arith.constant 0 : i32
      %dma_wait3A_377 = tpu.memref_slice %arg6[%dma_wait3A_374, %dma_wait3A_375, %dma_wait3A_376] : memref<8x2x128xi32, #tpu.memory_space<vmem>> -> memref<1x1x128xi32, #tpu.memory_space<vmem>>
      %dma_wait3A_378 = tpu.memref_squeeze %dma_wait3A_377 : memref<1x1x128xi32, #tpu.memory_space<vmem>> -> memref<128xi32, #tpu.memory_space<vmem>>
      %dma_wait3A_379 = arith.constant 0 : i32
      %dma_wait3A_380 = arith.constant 0 : i32
      %dma_wait3A_381 = tpu.memref_slice %arg2[%arg0, %dma_wait3A_379, %dma_wait3A_380] : memref<2x10000x64xf32, #tpu.memory_space<hbm>> -> memref<1x10000x64xf32, #tpu.memory_space<hbm>>
      %dma_wait3A_382 = tpu.memref_squeeze %dma_wait3A_381 : memref<1x10000x64xf32, #tpu.memory_space<hbm>> -> memref<10000x64xf32, #tpu.memory_space<hbm>>
      %dma_wait3A_383 = arith.constant 0 : i32
      %dma_wait3A_384 = arith.constant 0 : i32
      %dma_wait3A_385 = tpu.memref_slice %dma_wait3A_382[%dma_wait3A_383, %dma_wait3A_384] : memref<10000x64xf32, #tpu.memory_space<hbm>> -> memref<10000x64xf32, #tpu.memory_space<hbm>>
      tpu.wait_indirect_dma semaphore(%arg24 : memref<!tpu.dma_semaphore, #tpu.memory_space<semaphore_mem>>) src(%dma_wait3A_385 : memref<10000x64xf32, #tpu.memory_space<hbm>>) dst(%arg14 : memref<128x64xf32, #tpu.memory_space<vmem>>)
      %dma_start3A_386 = arith.constant 7 : i32
      %dma_start3A_387 = arith.constant 1 : i32
      %dma_start3A_388 = arith.constant 0 : i32
      %dma_start3A_389 = tpu.memref_slice %arg6[%dma_start3A_386, %dma_start3A_387, %dma_start3A_388] : memref<8x2x128xi32, #tpu.memory_space<vmem>> -> memref<1x1x128xi32, #tpu.memory_space<vmem>>
      %dma_start3A_390 = tpu.memref_squeeze %dma_start3A_389 : memref<1x1x128xi32, #tpu.memory_space<vmem>> -> memref<128xi32, #tpu.memory_space<vmem>>
      %dma_start3A_391 = arith.constant 0 : i32
      %dma_start3A_392 = arith.constant 0 : i32
      %dma_start3A_393 = tpu.memref_slice %arg16[%dma_start3A_391, %dma_start3A_392] : memref<10112x64xf32, #tpu.memory_space<vmem_shared>> -> memref<10112x64xf32, #tpu.memory_space<vmem_shared>>
      tpu.enqueue_indirect_dma source(%arg14 : memref<128x64xf32, #tpu.memory_space<vmem>>) target(%dma_start3A_393 : memref<10112x64xf32, #tpu.memory_space<vmem_shared>>) offsets(%dma_start3A_390 : memref<128xi32, #tpu.memory_space<vmem>>) semaphore(%arg32 : memref<!tpu.dma_semaphore, #tpu.memory_space<semaphore_mem>>) {add = true}
    }
    %scan3A_14 = arith.constant 20 : i32
    %dma_wait3A = arith.constant 0 : i32
    %dma_wait3A_15 = arith.constant 1 : i32
    %dma_wait3A_16 = arith.constant 0 : i32
    %dma_wait3A_17 = tpu.memref_slice %arg6[%dma_wait3A, %dma_wait3A_15, %dma_wait3A_16] : memref<8x2x128xi32, #tpu.memory_space<vmem>> -> memref<1x1x128xi32, #tpu.memory_space<vmem>>
    %dma_wait3A_18 = tpu.memref_squeeze %dma_wait3A_17 : memref<1x1x128xi32, #tpu.memory_space<vmem>> -> memref<128xi32, #tpu.memory_space<vmem>>
    %dma_wait3A_19 = arith.constant 0 : i32
    %dma_wait3A_20 = arith.constant 0 : i32
    %dma_wait3A_21 = tpu.memref_slice %arg16[%dma_wait3A_19, %dma_wait3A_20] : memref<10112x64xf32, #tpu.memory_space<vmem_shared>> -> memref<10112x64xf32, #tpu.memory_space<vmem_shared>>
    tpu.wait_indirect_dma semaphore(%arg25 : memref<!tpu.dma_semaphore, #tpu.memory_space<semaphore_mem>>) src(%arg7 : memref<128x64xf32, #tpu.memory_space<vmem>>) dst(%dma_wait3A_21 : memref<10112x64xf32, #tpu.memory_space<vmem_shared>>)
    %dma_wait3A_22 = arith.constant 1 : i32
    %dma_wait3A_23 = arith.constant 1 : i32
    %dma_wait3A_24 = arith.constant 0 : i32
    %dma_wait3A_25 = tpu.memref_slice %arg6[%dma_wait3A_22, %dma_wait3A_23, %dma_wait3A_24] : memref<8x2x128xi32, #tpu.memory_space<vmem>> -> memref<1x1x128xi32, #tpu.memory_space<vmem>>
    %dma_wait3A_26 = tpu.memref_squeeze %dma_wait3A_25 : memref<1x1x128xi32, #tpu.memory_space<vmem>> -> memref<128xi32, #tpu.memory_space<vmem>>
    %dma_wait3A_27 = arith.constant 0 : i32
    %dma_wait3A_28 = arith.constant 0 : i32
    %dma_wait3A_29 = tpu.memref_slice %arg16[%dma_wait3A_27, %dma_wait3A_28] : memref<10112x64xf32, #tpu.memory_space<vmem_shared>> -> memref<10112x64xf32, #tpu.memory_space<vmem_shared>>
    tpu.wait_indirect_dma semaphore(%arg26 : memref<!tpu.dma_semaphore, #tpu.memory_space<semaphore_mem>>) src(%arg8 : memref<128x64xf32, #tpu.memory_space<vmem>>) dst(%dma_wait3A_29 : memref<10112x64xf32, #tpu.memory_space<vmem_shared>>)
    %dma_wait3A_30 = arith.constant 2 : i32
    %dma_wait3A_31 = arith.constant 1 : i32
    %dma_wait3A_32 = arith.constant 0 : i32
    %dma_wait3A_33 = tpu.memref_slice %arg6[%dma_wait3A_30, %dma_wait3A_31, %dma_wait3A_32] : memref<8x2x128xi32, #tpu.memory_space<vmem>> -> memref<1x1x128xi32, #tpu.memory_space<vmem>>
    %dma_wait3A_34 = tpu.memref_squeeze %dma_wait3A_33 : memref<1x1x128xi32, #tpu.memory_space<vmem>> -> memref<128xi32, #tpu.memory_space<vmem>>
    %dma_wait3A_35 = arith.constant 0 : i32
    %dma_wait3A_36 = arith.constant 0 : i32
    %dma_wait3A_37 = tpu.memref_slice %arg16[%dma_wait3A_35, %dma_wait3A_36] : memref<10112x64xf32, #tpu.memory_space<vmem_shared>> -> memref<10112x64xf32, #tpu.memory_space<vmem_shared>>
    tpu.wait_indirect_dma semaphore(%arg27 : memref<!tpu.dma_semaphore, #tpu.memory_space<semaphore_mem>>) src(%arg9 : memref<128x64xf32, #tpu.memory_space<vmem>>) dst(%dma_wait3A_37 : memref<10112x64xf32, #tpu.memory_space<vmem_shared>>)
    %dma_wait3A_38 = arith.constant 3 : i32
    %dma_wait3A_39 = arith.constant 1 : i32
    %dma_wait3A_40 = arith.constant 0 : i32
    %dma_wait3A_41 = tpu.memref_slice %arg6[%dma_wait3A_38, %dma_wait3A_39, %dma_wait3A_40] : memref<8x2x128xi32, #tpu.memory_space<vmem>> -> memref<1x1x128xi32, #tpu.memory_space<vmem>>
    %dma_wait3A_42 = tpu.memref_squeeze %dma_wait3A_41 : memref<1x1x128xi32, #tpu.memory_space<vmem>> -> memref<128xi32, #tpu.memory_space<vmem>>
    %dma_wait3A_43 = arith.constant 0 : i32
    %dma_wait3A_44 = arith.constant 0 : i32
    %dma_wait3A_45 = tpu.memref_slice %arg16[%dma_wait3A_43, %dma_wait3A_44] : memref<10112x64xf32, #tpu.memory_space<vmem_shared>> -> memref<10112x64xf32, #tpu.memory_space<vmem_shared>>
    tpu.wait_indirect_dma semaphore(%arg28 : memref<!tpu.dma_semaphore, #tpu.memory_space<semaphore_mem>>) src(%arg10 : memref<128x64xf32, #tpu.memory_space<vmem>>) dst(%dma_wait3A_45 : memref<10112x64xf32, #tpu.memory_space<vmem_shared>>)
    %dma_wait3A_46 = arith.constant 4 : i32
    %dma_wait3A_47 = arith.constant 1 : i32
    %dma_wait3A_48 = arith.constant 0 : i32
    %dma_wait3A_49 = tpu.memref_slice %arg6[%dma_wait3A_46, %dma_wait3A_47, %dma_wait3A_48] : memref<8x2x128xi32, #tpu.memory_space<vmem>> -> memref<1x1x128xi32, #tpu.memory_space<vmem>>
    %dma_wait3A_50 = tpu.memref_squeeze %dma_wait3A_49 : memref<1x1x128xi32, #tpu.memory_space<vmem>> -> memref<128xi32, #tpu.memory_space<vmem>>
    %dma_wait3A_51 = arith.constant 0 : i32
    %dma_wait3A_52 = arith.constant 0 : i32
    %dma_wait3A_53 = tpu.memref_slice %arg16[%dma_wait3A_51, %dma_wait3A_52] : memref<10112x64xf32, #tpu.memory_space<vmem_shared>> -> memref<10112x64xf32, #tpu.memory_space<vmem_shared>>
    tpu.wait_indirect_dma semaphore(%arg29 : memref<!tpu.dma_semaphore, #tpu.memory_space<semaphore_mem>>) src(%arg11 : memref<128x64xf32, #tpu.memory_space<vmem>>) dst(%dma_wait3A_53 : memref<10112x64xf32, #tpu.memory_space<vmem_shared>>)
    %dma_wait3A_54 = arith.constant 5 : i32
    %dma_wait3A_55 = arith.constant 1 : i32
    %dma_wait3A_56 = arith.constant 0 : i32
    %dma_wait3A_57 = tpu.memref_slice %arg6[%dma_wait3A_54, %dma_wait3A_55, %dma_wait3A_56] : memref<8x2x128xi32, #tpu.memory_space<vmem>> -> memref<1x1x128xi32, #tpu.memory_space<vmem>>
    %dma_wait3A_58 = tpu.memref_squeeze %dma_wait3A_57 : memref<1x1x128xi32, #tpu.memory_space<vmem>> -> memref<128xi32, #tpu.memory_space<vmem>>
    %dma_wait3A_59 = arith.constant 0 : i32
    %dma_wait3A_60 = arith.constant 0 : i32
    %dma_wait3A_61 = tpu.memref_slice %arg16[%dma_wait3A_59, %dma_wait3A_60] : memref<10112x64xf32, #tpu.memory_space<vmem_shared>> -> memref<10112x64xf32, #tpu.memory_space<vmem_shared>>
    tpu.wait_indirect_dma semaphore(%arg30 : memref<!tpu.dma_semaphore, #tpu.memory_space<semaphore_mem>>) src(%arg12 : memref<128x64xf32, #tpu.memory_space<vmem>>) dst(%dma_wait3A_61 : memref<10112x64xf32, #tpu.memory_space<vmem_shared>>)
    %dma_wait3A_62 = arith.constant 6 : i32
    %dma_wait3A_63 = arith.constant 1 : i32
    %dma_wait3A_64 = arith.constant 0 : i32
    %dma_wait3A_65 = tpu.memref_slice %arg6[%dma_wait3A_62, %dma_wait3A_63, %dma_wait3A_64] : memref<8x2x128xi32, #tpu.memory_space<vmem>> -> memref<1x1x128xi32, #tpu.memory_space<vmem>>
    %dma_wait3A_66 = tpu.memref_squeeze %dma_wait3A_65 : memref<1x1x128xi32, #tpu.memory_space<vmem>> -> memref<128xi32, #tpu.memory_space<vmem>>
    %dma_wait3A_67 = arith.constant 0 : i32
    %dma_wait3A_68 = arith.constant 0 : i32
    %dma_wait3A_69 = tpu.memref_slice %arg16[%dma_wait3A_67, %dma_wait3A_68] : memref<10112x64xf32, #tpu.memory_space<vmem_shared>> -> memref<10112x64xf32, #tpu.memory_space<vmem_shared>>
    tpu.wait_indirect_dma semaphore(%arg31 : memref<!tpu.dma_semaphore, #tpu.memory_space<semaphore_mem>>) src(%arg13 : memref<128x64xf32, #tpu.memory_space<vmem>>) dst(%dma_wait3A_69 : memref<10112x64xf32, #tpu.memory_space<vmem_shared>>)
    %dma_wait3A_70 = arith.constant 7 : i32
    %dma_wait3A_71 = arith.constant 1 : i32
    %dma_wait3A_72 = arith.constant 0 : i32
    %dma_wait3A_73 = tpu.memref_slice %arg6[%dma_wait3A_70, %dma_wait3A_71, %dma_wait3A_72] : memref<8x2x128xi32, #tpu.memory_space<vmem>> -> memref<1x1x128xi32, #tpu.memory_space<vmem>>
    %dma_wait3A_74 = tpu.memref_squeeze %dma_wait3A_73 : memref<1x1x128xi32, #tpu.memory_space<vmem>> -> memref<128xi32, #tpu.memory_space<vmem>>
    %dma_wait3A_75 = arith.constant 0 : i32
    %dma_wait3A_76 = arith.constant 0 : i32
    %dma_wait3A_77 = tpu.memref_slice %arg16[%dma_wait3A_75, %dma_wait3A_76] : memref<10112x64xf32, #tpu.memory_space<vmem_shared>> -> memref<10112x64xf32, #tpu.memory_space<vmem_shared>>
    tpu.wait_indirect_dma semaphore(%arg32 : memref<!tpu.dma_semaphore, #tpu.memory_space<semaphore_mem>>) src(%arg14 : memref<128x64xf32, #tpu.memory_space<vmem>>) dst(%dma_wait3A_77 : memref<10112x64xf32, #tpu.memory_space<vmem_shared>>)
    %barrier3A_78 = arith.constant 0 : index
    tpu.barrier barrier_id(%barrier3A_78)
    %add3A_79 = arith.constant 0 : i32
    %add3A_80 = arith.addi %mul3A_0, %add3A_79 : i32
    "tpu.region"() ({
      %run_scoped3A = tpu.sem_alloc : memref<!tpu.dma_semaphore, #tpu.memory_space<semaphore_mem>>
      %dma_start3A = arith.constant 0 : i32
      %dma_start3A_99 = arith.constant 0 : i32
      %dma_start3A_100 = tpu.memref_slice %arg15[%dma_start3A, %dma_start3A_99] : memref<128x64xf32, #tpu.memory_space<vmem>> -> memref<128x64xf32, #tpu.memory_space<vmem>>
      %dma_start3A_101 = arith.constant 0 : i32
      %dma_start3A_102 = tpu.memref_slice %arg16[%add3A_80, %dma_start3A_101] : memref<10112x64xf32, #tpu.memory_space<vmem_shared>> -> memref<128x64xf32, #tpu.memory_space<vmem_shared>>
      %dma_start3A_103 = arith.constant 0 : i32
      %dma_start3A_104 = arith.constant 0 : i32
      %dma_start3A_105 = tpu.memref_slice %arg15[%dma_start3A_103, %dma_start3A_104] : memref<128x64xf32, #tpu.memory_space<vmem>> -> memref<128x64xf32, #tpu.memory_space<vmem>>
      %dma_start3A_106 = arith.constant 0 : i32
      %dma_start3A_107 = tpu.memref_slice %arg16[%add3A_80, %dma_start3A_106] : memref<10112x64xf32, #tpu.memory_space<vmem_shared>> -> memref<128x64xf32, #tpu.memory_space<vmem_shared>>
      tpu.enqueue_dma source(%dma_start3A_107 : memref<128x64xf32, #tpu.memory_space<vmem_shared>>) target(%dma_start3A_105 : memref<128x64xf32, #tpu.memory_space<vmem>>) target_semaphore(%run_scoped3A : memref<!tpu.dma_semaphore, #tpu.memory_space<semaphore_mem>>)
      %dma_wait3A_108 = arith.constant 0 : i32
      %dma_wait3A_109 = arith.constant 0 : i32
      %dma_wait3A_110 = tpu.memref_slice %arg15[%dma_wait3A_108, %dma_wait3A_109] : memref<128x64xf32, #tpu.memory_space<vmem>> -> memref<128x64xf32, #tpu.memory_space<vmem>>
      %dma_wait3A_111 = arith.constant 0 : i32
      %dma_wait3A_112 = tpu.memref_slice %arg16[%add3A_80, %dma_wait3A_111] : memref<10112x64xf32, #tpu.memory_space<vmem_shared>> -> memref<128x64xf32, #tpu.memory_space<vmem_shared>>
      %dma_wait3A_113 = arith.constant 0 : i32
      %dma_wait3A_114 = arith.constant 0 : i32
      %dma_wait3A_115 = tpu.memref_slice %arg15[%dma_wait3A_113, %dma_wait3A_114] : memref<128x64xf32, #tpu.memory_space<vmem>> -> memref<128x64xf32, #tpu.memory_space<vmem>>
      %dma_wait3A_116 = arith.constant 0 : i32
      %dma_wait3A_117 = tpu.memref_slice %arg16[%add3A_80, %dma_wait3A_116] : memref<10112x64xf32, #tpu.memory_space<vmem_shared>> -> memref<128x64xf32, #tpu.memory_space<vmem_shared>>
      tpu.wait_dma2 semaphore(%run_scoped3A : memref<!tpu.dma_semaphore, #tpu.memory_space<semaphore_mem>>) src(%dma_wait3A_117 : memref<128x64xf32, #tpu.memory_space<vmem_shared>>) dst(%dma_wait3A_115 : memref<128x64xf32, #tpu.memory_space<vmem>>)
      tpu.yield
    }) : () -> ()
    %add3A_81 = arith.constant 0 : i32
    %add3A_82 = arith.addi %mul3A_0, %add3A_81 : i32
    "tpu.region"() ({
      %run_scoped3A = tpu.sem_alloc : memref<!tpu.dma_semaphore, #tpu.memory_space<semaphore_mem>>
      %dma_start3A = arith.constant 0 : i32
      %dma_start3A_99 = arith.constant 0 : i32
      %dma_start3A_100 = tpu.memref_slice %arg15[%dma_start3A, %dma_start3A_99] : memref<128x64xf32, #tpu.memory_space<vmem>> -> memref<128x64xf32, #tpu.memory_space<vmem>>
      %dma_start3A_101 = arith.constant 0 : i32
      %dma_start3A_102 = tpu.memref_slice %arg5[%arg0, %add3A_82, %dma_start3A_101] : memref<2x10112x64xf32, #tpu.memory_space<hbm>> -> memref<1x128x64xf32, #tpu.memory_space<hbm>>
      %dma_start3A_103 = tpu.memref_squeeze %dma_start3A_102 : memref<1x128x64xf32, #tpu.memory_space<hbm>> -> memref<128x64xf32, #tpu.memory_space<hbm>>
      %dma_start3A_104 = arith.constant 0 : i32
      %dma_start3A_105 = tpu.memref_slice %arg5[%arg0, %add3A_82, %dma_start3A_104] : memref<2x10112x64xf32, #tpu.memory_space<hbm>> -> memref<1x128x64xf32, #tpu.memory_space<hbm>>
      %dma_start3A_106 = tpu.memref_squeeze %dma_start3A_105 : memref<1x128x64xf32, #tpu.memory_space<hbm>> -> memref<128x64xf32, #tpu.memory_space<hbm>>
      %dma_start3A_107 = arith.constant 0 : i32
      %dma_start3A_108 = arith.constant 0 : i32
      %dma_start3A_109 = tpu.memref_slice %arg15[%dma_start3A_107, %dma_start3A_108] : memref<128x64xf32, #tpu.memory_space<vmem>> -> memref<128x64xf32, #tpu.memory_space<vmem>>
      tpu.enqueue_dma source(%dma_start3A_109 : memref<128x64xf32, #tpu.memory_space<vmem>>) target(%dma_start3A_106 : memref<128x64xf32, #tpu.memory_space<hbm>>) target_semaphore(%run_scoped3A : memref<!tpu.dma_semaphore, #tpu.memory_space<semaphore_mem>>)
      %dma_wait3A_110 = arith.constant 0 : i32
      %dma_wait3A_111 = arith.constant 0 : i32
      %dma_wait3A_112 = tpu.memref_slice %arg15[%dma_wait3A_110, %dma_wait3A_111] : memref<128x64xf32, #tpu.memory_space<vmem>> -> memref<128x64xf32, #tpu.memory_space<vmem>>
      %dma_wait3A_113 = arith.constant 0 : i32
      %dma_wait3A_114 = tpu.memref_slice %arg5[%arg0, %add3A_82, %dma_wait3A_113] : memref<2x10112x64xf32, #tpu.memory_space<hbm>> -> memref<1x128x64xf32, #tpu.memory_space<hbm>>
      %dma_wait3A_115 = tpu.memref_squeeze %dma_wait3A_114 : memref<1x128x64xf32, #tpu.memory_space<hbm>> -> memref<128x64xf32, #tpu.memory_space<hbm>>
      %dma_wait3A_116 = arith.constant 0 : i32
      %dma_wait3A_117 = tpu.memref_slice %arg5[%arg0, %add3A_82, %dma_wait3A_116] : memref<2x10112x64xf32, #tpu.memory_space<hbm>> -> memref<1x128x64xf32, #tpu.memory_space<hbm>>
      %dma_wait3A_118 = tpu.memref_squeeze %dma_wait3A_117 : memref<1x128x64xf32, #tpu.memory_space<hbm>> -> memref<128x64xf32, #tpu.memory_space<hbm>>
      %dma_wait3A_119 = arith.constant 0 : i32
      %dma_wait3A_120 = arith.constant 0 : i32
      %dma_wait3A_121 = tpu.memref_slice %arg15[%dma_wait3A_119, %dma_wait3A_120] : memref<128x64xf32, #tpu.memory_space<vmem>> -> memref<128x64xf32, #tpu.memory_space<vmem>>
      tpu.wait_dma2 semaphore(%run_scoped3A : memref<!tpu.dma_semaphore, #tpu.memory_space<semaphore_mem>>) src(%dma_wait3A_121 : memref<128x64xf32, #tpu.memory_space<vmem>>) dst(%dma_wait3A_118 : memref<128x64xf32, #tpu.memory_space<hbm>>)
      tpu.yield
    }) : () -> ()
    %add3A_83 = arith.constant 128 : i32
    %add3A_84 = arith.addi %mul3A_0, %add3A_83 : i32
    "tpu.region"() ({
      %run_scoped3A = tpu.sem_alloc : memref<!tpu.dma_semaphore, #tpu.memory_space<semaphore_mem>>
      %dma_start3A = arith.constant 0 : i32
      %dma_start3A_99 = arith.constant 0 : i32
      %dma_start3A_100 = tpu.memref_slice %arg15[%dma_start3A, %dma_start3A_99] : memref<128x64xf32, #tpu.memory_space<vmem>> -> memref<128x64xf32, #tpu.memory_space<vmem>>
      %dma_start3A_101 = arith.constant 0 : i32
      %dma_start3A_102 = tpu.memref_slice %arg16[%add3A_84, %dma_start3A_101] : memref<10112x64xf32, #tpu.memory_space<vmem_shared>> -> memref<128x64xf32, #tpu.memory_space<vmem_shared>>
      %dma_start3A_103 = arith.constant 0 : i32
      %dma_start3A_104 = arith.constant 0 : i32
      %dma_start3A_105 = tpu.memref_slice %arg15[%dma_start3A_103, %dma_start3A_104] : memref<128x64xf32, #tpu.memory_space<vmem>> -> memref<128x64xf32, #tpu.memory_space<vmem>>
      %dma_start3A_106 = arith.constant 0 : i32
      %dma_start3A_107 = tpu.memref_slice %arg16[%add3A_84, %dma_start3A_106] : memref<10112x64xf32, #tpu.memory_space<vmem_shared>> -> memref<128x64xf32, #tpu.memory_space<vmem_shared>>
      tpu.enqueue_dma source(%dma_start3A_107 : memref<128x64xf32, #tpu.memory_space<vmem_shared>>) target(%dma_start3A_105 : memref<128x64xf32, #tpu.memory_space<vmem>>) target_semaphore(%run_scoped3A : memref<!tpu.dma_semaphore, #tpu.memory_space<semaphore_mem>>)
      %dma_wait3A_108 = arith.constant 0 : i32
      %dma_wait3A_109 = arith.constant 0 : i32
      %dma_wait3A_110 = tpu.memref_slice %arg15[%dma_wait3A_108, %dma_wait3A_109] : memref<128x64xf32, #tpu.memory_space<vmem>> -> memref<128x64xf32, #tpu.memory_space<vmem>>
      %dma_wait3A_111 = arith.constant 0 : i32
      %dma_wait3A_112 = tpu.memref_slice %arg16[%add3A_84, %dma_wait3A_111] : memref<10112x64xf32, #tpu.memory_space<vmem_shared>> -> memref<128x64xf32, #tpu.memory_space<vmem_shared>>
      %dma_wait3A_113 = arith.constant 0 : i32
      %dma_wait3A_114 = arith.constant 0 : i32
      %dma_wait3A_115 = tpu.memref_slice %arg15[%dma_wait3A_113, %dma_wait3A_114] : memref<128x64xf32, #tpu.memory_space<vmem>> -> memref<128x64xf32, #tpu.memory_space<vmem>>
      %dma_wait3A_116 = arith.constant 0 : i32
      %dma_wait3A_117 = tpu.memref_slice %arg16[%add3A_84, %dma_wait3A_116] : memref<10112x64xf32, #tpu.memory_space<vmem_shared>> -> memref<128x64xf32, #tpu.memory_space<vmem_shared>>
      tpu.wait_dma2 semaphore(%run_scoped3A : memref<!tpu.dma_semaphore, #tpu.memory_space<semaphore_mem>>) src(%dma_wait3A_117 : memref<128x64xf32, #tpu.memory_space<vmem_shared>>) dst(%dma_wait3A_115 : memref<128x64xf32, #tpu.memory_space<vmem>>)
      tpu.yield
    }) : () -> ()
    %add3A_85 = arith.constant 128 : i32
    %add3A_86 = arith.addi %mul3A_0, %add3A_85 : i32
    "tpu.region"() ({
      %run_scoped3A = tpu.sem_alloc : memref<!tpu.dma_semaphore, #tpu.memory_space<semaphore_mem>>
      %dma_start3A = arith.constant 0 : i32
      %dma_start3A_99 = arith.constant 0 : i32
      %dma_start3A_100 = tpu.memref_slice %arg15[%dma_start3A, %dma_start3A_99] : memref<128x64xf32, #tpu.memory_space<vmem>> -> memref<128x64xf32, #tpu.memory_space<vmem>>
      %dma_start3A_101 = arith.constant 0 : i32
      %dma_start3A_102 = tpu.memref_slice %arg5[%arg0, %add3A_86, %dma_start3A_101] : memref<2x10112x64xf32, #tpu.memory_space<hbm>> -> memref<1x128x64xf32, #tpu.memory_space<hbm>>
      %dma_start3A_103 = tpu.memref_squeeze %dma_start3A_102 : memref<1x128x64xf32, #tpu.memory_space<hbm>> -> memref<128x64xf32, #tpu.memory_space<hbm>>
      %dma_start3A_104 = arith.constant 0 : i32
      %dma_start3A_105 = tpu.memref_slice %arg5[%arg0, %add3A_86, %dma_start3A_104] : memref<2x10112x64xf32, #tpu.memory_space<hbm>> -> memref<1x128x64xf32, #tpu.memory_space<hbm>>
      %dma_start3A_106 = tpu.memref_squeeze %dma_start3A_105 : memref<1x128x64xf32, #tpu.memory_space<hbm>> -> memref<128x64xf32, #tpu.memory_space<hbm>>
      %dma_start3A_107 = arith.constant 0 : i32
      %dma_start3A_108 = arith.constant 0 : i32
      %dma_start3A_109 = tpu.memref_slice %arg15[%dma_start3A_107, %dma_start3A_108] : memref<128x64xf32, #tpu.memory_space<vmem>> -> memref<128x64xf32, #tpu.memory_space<vmem>>
      tpu.enqueue_dma source(%dma_start3A_109 : memref<128x64xf32, #tpu.memory_space<vmem>>) target(%dma_start3A_106 : memref<128x64xf32, #tpu.memory_space<hbm>>) target_semaphore(%run_scoped3A : memref<!tpu.dma_semaphore, #tpu.memory_space<semaphore_mem>>)
      %dma_wait3A_110 = arith.constant 0 : i32
      %dma_wait3A_111 = arith.constant 0 : i32
      %dma_wait3A_112 = tpu.memref_slice %arg15[%dma_wait3A_110, %dma_wait3A_111] : memref<128x64xf32, #tpu.memory_space<vmem>> -> memref<128x64xf32, #tpu.memory_space<vmem>>
      %dma_wait3A_113 = arith.constant 0 : i32
      %dma_wait3A_114 = tpu.memref_slice %arg5[%arg0, %add3A_86, %dma_wait3A_113] : memref<2x10112x64xf32, #tpu.memory_space<hbm>> -> memref<1x128x64xf32, #tpu.memory_space<hbm>>
      %dma_wait3A_115 = tpu.memref_squeeze %dma_wait3A_114 : memref<1x128x64xf32, #tpu.memory_space<hbm>> -> memref<128x64xf32, #tpu.memory_space<hbm>>
      %dma_wait3A_116 = arith.constant 0 : i32
      %dma_wait3A_117 = tpu.memref_slice %arg5[%arg0, %add3A_86, %dma_wait3A_116] : memref<2x10112x64xf32, #tpu.memory_space<hbm>> -> memref<1x128x64xf32, #tpu.memory_space<hbm>>
      %dma_wait3A_118 = tpu.memref_squeeze %dma_wait3A_117 : memref<1x128x64xf32, #tpu.memory_space<hbm>> -> memref<128x64xf32, #tpu.memory_space<hbm>>
      %dma_wait3A_119 = arith.constant 0 : i32
      %dma_wait3A_120 = arith.constant 0 : i32
      %dma_wait3A_121 = tpu.memref_slice %arg15[%dma_wait3A_119, %dma_wait3A_120] : memref<128x64xf32, #tpu.memory_space<vmem>> -> memref<128x64xf32, #tpu.memory_space<vmem>>
      tpu.wait_dma2 semaphore(%run_scoped3A : memref<!tpu.dma_semaphore, #tpu.memory_space<semaphore_mem>>) src(%dma_wait3A_121 : memref<128x64xf32, #tpu.memory_space<vmem>>) dst(%dma_wait3A_118 : memref<128x64xf32, #tpu.memory_space<hbm>>)
      tpu.yield
    }) : () -> ()
    %add3A_87 = arith.constant 256 : i32
    %add3A_88 = arith.addi %mul3A_0, %add3A_87 : i32
    "tpu.region"() ({
      %run_scoped3A = tpu.sem_alloc : memref<!tpu.dma_semaphore, #tpu.memory_space<semaphore_mem>>
      %dma_start3A = arith.constant 0 : i32
      %dma_start3A_99 = arith.constant 0 : i32
      %dma_start3A_100 = tpu.memref_slice %arg15[%dma_start3A, %dma_start3A_99] : memref<128x64xf32, #tpu.memory_space<vmem>> -> memref<128x64xf32, #tpu.memory_space<vmem>>
      %dma_start3A_101 = arith.constant 0 : i32
      %dma_start3A_102 = tpu.memref_slice %arg16[%add3A_88, %dma_start3A_101] : memref<10112x64xf32, #tpu.memory_space<vmem_shared>> -> memref<128x64xf32, #tpu.memory_space<vmem_shared>>
      %dma_start3A_103 = arith.constant 0 : i32
      %dma_start3A_104 = arith.constant 0 : i32
      %dma_start3A_105 = tpu.memref_slice %arg15[%dma_start3A_103, %dma_start3A_104] : memref<128x64xf32, #tpu.memory_space<vmem>> -> memref<128x64xf32, #tpu.memory_space<vmem>>
      %dma_start3A_106 = arith.constant 0 : i32
      %dma_start3A_107 = tpu.memref_slice %arg16[%add3A_88, %dma_start3A_106] : memref<10112x64xf32, #tpu.memory_space<vmem_shared>> -> memref<128x64xf32, #tpu.memory_space<vmem_shared>>
      tpu.enqueue_dma source(%dma_start3A_107 : memref<128x64xf32, #tpu.memory_space<vmem_shared>>) target(%dma_start3A_105 : memref<128x64xf32, #tpu.memory_space<vmem>>) target_semaphore(%run_scoped3A : memref<!tpu.dma_semaphore, #tpu.memory_space<semaphore_mem>>)
      %dma_wait3A_108 = arith.constant 0 : i32
      %dma_wait3A_109 = arith.constant 0 : i32
      %dma_wait3A_110 = tpu.memref_slice %arg15[%dma_wait3A_108, %dma_wait3A_109] : memref<128x64xf32, #tpu.memory_space<vmem>> -> memref<128x64xf32, #tpu.memory_space<vmem>>
      %dma_wait3A_111 = arith.constant 0 : i32
      %dma_wait3A_112 = tpu.memref_slice %arg16[%add3A_88, %dma_wait3A_111] : memref<10112x64xf32, #tpu.memory_space<vmem_shared>> -> memref<128x64xf32, #tpu.memory_space<vmem_shared>>
      %dma_wait3A_113 = arith.constant 0 : i32
      %dma_wait3A_114 = arith.constant 0 : i32
      %dma_wait3A_115 = tpu.memref_slice %arg15[%dma_wait3A_113, %dma_wait3A_114] : memref<128x64xf32, #tpu.memory_space<vmem>> -> memref<128x64xf32, #tpu.memory_space<vmem>>
      %dma_wait3A_116 = arith.constant 0 : i32
      %dma_wait3A_117 = tpu.memref_slice %arg16[%add3A_88, %dma_wait3A_116] : memref<10112x64xf32, #tpu.memory_space<vmem_shared>> -> memref<128x64xf32, #tpu.memory_space<vmem_shared>>
      tpu.wait_dma2 semaphore(%run_scoped3A : memref<!tpu.dma_semaphore, #tpu.memory_space<semaphore_mem>>) src(%dma_wait3A_117 : memref<128x64xf32, #tpu.memory_space<vmem_shared>>) dst(%dma_wait3A_115 : memref<128x64xf32, #tpu.memory_space<vmem>>)
      tpu.yield
    }) : () -> ()
    %add3A_89 = arith.constant 256 : i32
    %add3A_90 = arith.addi %mul3A_0, %add3A_89 : i32
    "tpu.region"() ({
      %run_scoped3A = tpu.sem_alloc : memref<!tpu.dma_semaphore, #tpu.memory_space<semaphore_mem>>
      %dma_start3A = arith.constant 0 : i32
      %dma_start3A_99 = arith.constant 0 : i32
      %dma_start3A_100 = tpu.memref_slice %arg15[%dma_start3A, %dma_start3A_99] : memref<128x64xf32, #tpu.memory_space<vmem>> -> memref<128x64xf32, #tpu.memory_space<vmem>>
      %dma_start3A_101 = arith.constant 0 : i32
      %dma_start3A_102 = tpu.memref_slice %arg5[%arg0, %add3A_90, %dma_start3A_101] : memref<2x10112x64xf32, #tpu.memory_space<hbm>> -> memref<1x128x64xf32, #tpu.memory_space<hbm>>
      %dma_start3A_103 = tpu.memref_squeeze %dma_start3A_102 : memref<1x128x64xf32, #tpu.memory_space<hbm>> -> memref<128x64xf32, #tpu.memory_space<hbm>>
      %dma_start3A_104 = arith.constant 0 : i32
      %dma_start3A_105 = tpu.memref_slice %arg5[%arg0, %add3A_90, %dma_start3A_104] : memref<2x10112x64xf32, #tpu.memory_space<hbm>> -> memref<1x128x64xf32, #tpu.memory_space<hbm>>
      %dma_start3A_106 = tpu.memref_squeeze %dma_start3A_105 : memref<1x128x64xf32, #tpu.memory_space<hbm>> -> memref<128x64xf32, #tpu.memory_space<hbm>>
      %dma_start3A_107 = arith.constant 0 : i32
      %dma_start3A_108 = arith.constant 0 : i32
      %dma_start3A_109 = tpu.memref_slice %arg15[%dma_start3A_107, %dma_start3A_108] : memref<128x64xf32, #tpu.memory_space<vmem>> -> memref<128x64xf32, #tpu.memory_space<vmem>>
      tpu.enqueue_dma source(%dma_start3A_109 : memref<128x64xf32, #tpu.memory_space<vmem>>) target(%dma_start3A_106 : memref<128x64xf32, #tpu.memory_space<hbm>>) target_semaphore(%run_scoped3A : memref<!tpu.dma_semaphore, #tpu.memory_space<semaphore_mem>>)
      %dma_wait3A_110 = arith.constant 0 : i32
      %dma_wait3A_111 = arith.constant 0 : i32
      %dma_wait3A_112 = tpu.memref_slice %arg15[%dma_wait3A_110, %dma_wait3A_111] : memref<128x64xf32, #tpu.memory_space<vmem>> -> memref<128x64xf32, #tpu.memory_space<vmem>>
      %dma_wait3A_113 = arith.constant 0 : i32
      %dma_wait3A_114 = tpu.memref_slice %arg5[%arg0, %add3A_90, %dma_wait3A_113] : memref<2x10112x64xf32, #tpu.memory_space<hbm>> -> memref<1x128x64xf32, #tpu.memory_space<hbm>>
      %dma_wait3A_115 = tpu.memref_squeeze %dma_wait3A_114 : memref<1x128x64xf32, #tpu.memory_space<hbm>> -> memref<128x64xf32, #tpu.memory_space<hbm>>
      %dma_wait3A_116 = arith.constant 0 : i32
      %dma_wait3A_117 = tpu.memref_slice %arg5[%arg0, %add3A_90, %dma_wait3A_116] : memref<2x10112x64xf32, #tpu.memory_space<hbm>> -> memref<1x128x64xf32, #tpu.memory_space<hbm>>
      %dma_wait3A_118 = tpu.memref_squeeze %dma_wait3A_117 : memref<1x128x64xf32, #tpu.memory_space<hbm>> -> memref<128x64xf32, #tpu.memory_space<hbm>>
      %dma_wait3A_119 = arith.constant 0 : i32
      %dma_wait3A_120 = arith.constant 0 : i32
      %dma_wait3A_121 = tpu.memref_slice %arg15[%dma_wait3A_119, %dma_wait3A_120] : memref<128x64xf32, #tpu.memory_space<vmem>> -> memref<128x64xf32, #tpu.memory_space<vmem>>
      tpu.wait_dma2 semaphore(%run_scoped3A : memref<!tpu.dma_semaphore, #tpu.memory_space<semaphore_mem>>) src(%dma_wait3A_121 : memref<128x64xf32, #tpu.memory_space<vmem>>) dst(%dma_wait3A_118 : memref<128x64xf32, #tpu.memory_space<hbm>>)
      tpu.yield
    }) : () -> ()
    %add3A_91 = arith.constant 384 : i32
    %add3A_92 = arith.addi %mul3A_0, %add3A_91 : i32
    "tpu.region"() ({
      %run_scoped3A = tpu.sem_alloc : memref<!tpu.dma_semaphore, #tpu.memory_space<semaphore_mem>>
      %dma_start3A = arith.constant 0 : i32
      %dma_start3A_99 = arith.constant 0 : i32
      %dma_start3A_100 = tpu.memref_slice %arg15[%dma_start3A, %dma_start3A_99] : memref<128x64xf32, #tpu.memory_space<vmem>> -> memref<128x64xf32, #tpu.memory_space<vmem>>
      %dma_start3A_101 = arith.constant 0 : i32
      %dma_start3A_102 = tpu.memref_slice %arg16[%add3A_92, %dma_start3A_101] : memref<10112x64xf32, #tpu.memory_space<vmem_shared>> -> memref<128x64xf32, #tpu.memory_space<vmem_shared>>
      %dma_start3A_103 = arith.constant 0 : i32
      %dma_start3A_104 = arith.constant 0 : i32
      %dma_start3A_105 = tpu.memref_slice %arg15[%dma_start3A_103, %dma_start3A_104] : memref<128x64xf32, #tpu.memory_space<vmem>> -> memref<128x64xf32, #tpu.memory_space<vmem>>
      %dma_start3A_106 = arith.constant 0 : i32
      %dma_start3A_107 = tpu.memref_slice %arg16[%add3A_92, %dma_start3A_106] : memref<10112x64xf32, #tpu.memory_space<vmem_shared>> -> memref<128x64xf32, #tpu.memory_space<vmem_shared>>
      tpu.enqueue_dma source(%dma_start3A_107 : memref<128x64xf32, #tpu.memory_space<vmem_shared>>) target(%dma_start3A_105 : memref<128x64xf32, #tpu.memory_space<vmem>>) target_semaphore(%run_scoped3A : memref<!tpu.dma_semaphore, #tpu.memory_space<semaphore_mem>>)
      %dma_wait3A_108 = arith.constant 0 : i32
      %dma_wait3A_109 = arith.constant 0 : i32
      %dma_wait3A_110 = tpu.memref_slice %arg15[%dma_wait3A_108, %dma_wait3A_109] : memref<128x64xf32, #tpu.memory_space<vmem>> -> memref<128x64xf32, #tpu.memory_space<vmem>>
      %dma_wait3A_111 = arith.constant 0 : i32
      %dma_wait3A_112 = tpu.memref_slice %arg16[%add3A_92, %dma_wait3A_111] : memref<10112x64xf32, #tpu.memory_space<vmem_shared>> -> memref<128x64xf32, #tpu.memory_space<vmem_shared>>
      %dma_wait3A_113 = arith.constant 0 : i32
      %dma_wait3A_114 = arith.constant 0 : i32
      %dma_wait3A_115 = tpu.memref_slice %arg15[%dma_wait3A_113, %dma_wait3A_114] : memref<128x64xf32, #tpu.memory_space<vmem>> -> memref<128x64xf32, #tpu.memory_space<vmem>>
      %dma_wait3A_116 = arith.constant 0 : i32
      %dma_wait3A_117 = tpu.memref_slice %arg16[%add3A_92, %dma_wait3A_116] : memref<10112x64xf32, #tpu.memory_space<vmem_shared>> -> memref<128x64xf32, #tpu.memory_space<vmem_shared>>
      tpu.wait_dma2 semaphore(%run_scoped3A : memref<!tpu.dma_semaphore, #tpu.memory_space<semaphore_mem>>) src(%dma_wait3A_117 : memref<128x64xf32, #tpu.memory_space<vmem_shared>>) dst(%dma_wait3A_115 : memref<128x64xf32, #tpu.memory_space<vmem>>)
      tpu.yield
    }) : () -> ()
    %add3A_93 = arith.constant 384 : i32
    %add3A_94 = arith.addi %mul3A_0, %add3A_93 : i32
    "tpu.region"() ({
      %run_scoped3A = tpu.sem_alloc : memref<!tpu.dma_semaphore, #tpu.memory_space<semaphore_mem>>
      %dma_start3A = arith.constant 0 : i32
      %dma_start3A_99 = arith.constant 0 : i32
      %dma_start3A_100 = tpu.memref_slice %arg15[%dma_start3A, %dma_start3A_99] : memref<128x64xf32, #tpu.memory_space<vmem>> -> memref<128x64xf32, #tpu.memory_space<vmem>>
      %dma_start3A_101 = arith.constant 0 : i32
      %dma_start3A_102 = tpu.memref_slice %arg5[%arg0, %add3A_94, %dma_start3A_101] : memref<2x10112x64xf32, #tpu.memory_space<hbm>> -> memref<1x128x64xf32, #tpu.memory_space<hbm>>
      %dma_start3A_103 = tpu.memref_squeeze %dma_start3A_102 : memref<1x128x64xf32, #tpu.memory_space<hbm>> -> memref<128x64xf32, #tpu.memory_space<hbm>>
      %dma_start3A_104 = arith.constant 0 : i32
      %dma_start3A_105 = tpu.memref_slice %arg5[%arg0, %add3A_94, %dma_start3A_104] : memref<2x10112x64xf32, #tpu.memory_space<hbm>> -> memref<1x128x64xf32, #tpu.memory_space<hbm>>
      %dma_start3A_106 = tpu.memref_squeeze %dma_start3A_105 : memref<1x128x64xf32, #tpu.memory_space<hbm>> -> memref<128x64xf32, #tpu.memory_space<hbm>>
      %dma_start3A_107 = arith.constant 0 : i32
      %dma_start3A_108 = arith.constant 0 : i32
      %dma_start3A_109 = tpu.memref_slice %arg15[%dma_start3A_107, %dma_start3A_108] : memref<128x64xf32, #tpu.memory_space<vmem>> -> memref<128x64xf32, #tpu.memory_space<vmem>>
      tpu.enqueue_dma source(%dma_start3A_109 : memref<128x64xf32, #tpu.memory_space<vmem>>) target(%dma_start3A_106 : memref<128x64xf32, #tpu.memory_space<hbm>>) target_semaphore(%run_scoped3A : memref<!tpu.dma_semaphore, #tpu.memory_space<semaphore_mem>>)
      %dma_wait3A_110 = arith.constant 0 : i32
      %dma_wait3A_111 = arith.constant 0 : i32
      %dma_wait3A_112 = tpu.memref_slice %arg15[%dma_wait3A_110, %dma_wait3A_111] : memref<128x64xf32, #tpu.memory_space<vmem>> -> memref<128x64xf32, #tpu.memory_space<vmem>>
      %dma_wait3A_113 = arith.constant 0 : i32
      %dma_wait3A_114 = tpu.memref_slice %arg5[%arg0, %add3A_94, %dma_wait3A_113] : memref<2x10112x64xf32, #tpu.memory_space<hbm>> -> memref<1x128x64xf32, #tpu.memory_space<hbm>>
      %dma_wait3A_115 = tpu.memref_squeeze %dma_wait3A_114 : memref<1x128x64xf32, #tpu.memory_space<hbm>> -> memref<128x64xf32, #tpu.memory_space<hbm>>
      %dma_wait3A_116 = arith.constant 0 : i32
      %dma_wait3A_117 = tpu.memref_slice %arg5[%arg0, %add3A_94, %dma_wait3A_116] : memref<2x10112x64xf32, #tpu.memory_space<hbm>> -> memref<1x128x64xf32, #tpu.memory_space<hbm>>
      %dma_wait3A_118 = tpu.memref_squeeze %dma_wait3A_117 : memref<1x128x64xf32, #tpu.memory_space<hbm>> -> memref<128x64xf32, #tpu.memory_space<hbm>>
      %dma_wait3A_119 = arith.constant 0 : i32
      %dma_wait3A_120 = arith.constant 0 : i32
      %dma_wait3A_121 = tpu.memref_slice %arg15[%dma_wait3A_119, %dma_wait3A_120] : memref<128x64xf32, #tpu.memory_space<vmem>> -> memref<128x64xf32, #tpu.memory_space<vmem>>
      tpu.wait_dma2 semaphore(%run_scoped3A : memref<!tpu.dma_semaphore, #tpu.memory_space<semaphore_mem>>) src(%dma_wait3A_121 : memref<128x64xf32, #tpu.memory_space<vmem>>) dst(%dma_wait3A_118 : memref<128x64xf32, #tpu.memory_space<hbm>>)
      tpu.yield
    }) : () -> ()
    %add3A_95 = arith.constant 512 : i32
    %add3A_96 = arith.addi %mul3A_0, %add3A_95 : i32
    "tpu.region"() ({
      %run_scoped3A = tpu.sem_alloc : memref<!tpu.dma_semaphore, #tpu.memory_space<semaphore_mem>>
      %dma_start3A = arith.constant 0 : i32
      %dma_start3A_99 = arith.constant 0 : i32
      %dma_start3A_100 = tpu.memref_slice %arg15[%dma_start3A, %dma_start3A_99] : memref<128x64xf32, #tpu.memory_space<vmem>> -> memref<120x64xf32, #tpu.memory_space<vmem>>
      %dma_start3A_101 = arith.constant 0 : i32
      %dma_start3A_102 = tpu.memref_slice %arg16[%add3A_96, %dma_start3A_101] : memref<10112x64xf32, #tpu.memory_space<vmem_shared>> -> memref<120x64xf32, #tpu.memory_space<vmem_shared>>
      %dma_start3A_103 = arith.constant 0 : i32
      %dma_start3A_104 = arith.constant 0 : i32
      %dma_start3A_105 = tpu.memref_slice %arg15[%dma_start3A_103, %dma_start3A_104] : memref<128x64xf32, #tpu.memory_space<vmem>> -> memref<120x64xf32, #tpu.memory_space<vmem>>
      %dma_start3A_106 = arith.constant 0 : i32
      %dma_start3A_107 = tpu.memref_slice %arg16[%add3A_96, %dma_start3A_106] : memref<10112x64xf32, #tpu.memory_space<vmem_shared>> -> memref<120x64xf32, #tpu.memory_space<vmem_shared>>
      tpu.enqueue_dma source(%dma_start3A_107 : memref<120x64xf32, #tpu.memory_space<vmem_shared>>) target(%dma_start3A_105 : memref<120x64xf32, #tpu.memory_space<vmem>>) target_semaphore(%run_scoped3A : memref<!tpu.dma_semaphore, #tpu.memory_space<semaphore_mem>>)
      %dma_wait3A_108 = arith.constant 0 : i32
      %dma_wait3A_109 = arith.constant 0 : i32
      %dma_wait3A_110 = tpu.memref_slice %arg15[%dma_wait3A_108, %dma_wait3A_109] : memref<128x64xf32, #tpu.memory_space<vmem>> -> memref<120x64xf32, #tpu.memory_space<vmem>>
      %dma_wait3A_111 = arith.constant 0 : i32
      %dma_wait3A_112 = tpu.memref_slice %arg16[%add3A_96, %dma_wait3A_111] : memref<10112x64xf32, #tpu.memory_space<vmem_shared>> -> memref<120x64xf32, #tpu.memory_space<vmem_shared>>
      %dma_wait3A_113 = arith.constant 0 : i32
      %dma_wait3A_114 = arith.constant 0 : i32
      %dma_wait3A_115 = tpu.memref_slice %arg15[%dma_wait3A_113, %dma_wait3A_114] : memref<128x64xf32, #tpu.memory_space<vmem>> -> memref<120x64xf32, #tpu.memory_space<vmem>>
      %dma_wait3A_116 = arith.constant 0 : i32
      %dma_wait3A_117 = tpu.memref_slice %arg16[%add3A_96, %dma_wait3A_116] : memref<10112x64xf32, #tpu.memory_space<vmem_shared>> -> memref<120x64xf32, #tpu.memory_space<vmem_shared>>
      tpu.wait_dma2 semaphore(%run_scoped3A : memref<!tpu.dma_semaphore, #tpu.memory_space<semaphore_mem>>) src(%dma_wait3A_117 : memref<120x64xf32, #tpu.memory_space<vmem_shared>>) dst(%dma_wait3A_115 : memref<120x64xf32, #tpu.memory_space<vmem>>)
      tpu.yield
    }) : () -> ()
    %add3A_97 = arith.constant 512 : i32
    %add3A_98 = arith.addi %mul3A_0, %add3A_97 : i32
    "tpu.region"() ({
      %run_scoped3A = tpu.sem_alloc : memref<!tpu.dma_semaphore, #tpu.memory_space<semaphore_mem>>
      %dma_start3A = arith.constant 0 : i32
      %dma_start3A_99 = arith.constant 0 : i32
      %dma_start3A_100 = tpu.memref_slice %arg15[%dma_start3A, %dma_start3A_99] : memref<128x64xf32, #tpu.memory_space<vmem>> -> memref<120x64xf32, #tpu.memory_space<vmem>>
      %dma_start3A_101 = arith.constant 0 : i32
      %dma_start3A_102 = tpu.memref_slice %arg5[%arg0, %add3A_98, %dma_start3A_101] : memref<2x10112x64xf32, #tpu.memory_space<hbm>> -> memref<1x120x64xf32, #tpu.memory_space<hbm>>
      %dma_start3A_103 = tpu.memref_squeeze %dma_start3A_102 : memref<1x120x64xf32, #tpu.memory_space<hbm>> -> memref<120x64xf32, #tpu.memory_space<hbm>>
      %dma_start3A_104 = arith.constant 0 : i32
      %dma_start3A_105 = tpu.memref_slice %arg5[%arg0, %add3A_98, %dma_start3A_104] : memref<2x10112x64xf32, #tpu.memory_space<hbm>> -> memref<1x120x64xf32, #tpu.memory_space<hbm>>
      %dma_start3A_106 = tpu.memref_squeeze %dma_start3A_105 : memref<1x120x64xf32, #tpu.memory_space<hbm>> -> memref<120x64xf32, #tpu.memory_space<hbm>>
      %dma_start3A_107 = arith.constant 0 : i32
      %dma_start3A_108 = arith.constant 0 : i32
      %dma_start3A_109 = tpu.memref_slice %arg15[%dma_start3A_107, %dma_start3A_108] : memref<128x64xf32, #tpu.memory_space<vmem>> -> memref<120x64xf32, #tpu.memory_space<vmem>>
      tpu.enqueue_dma source(%dma_start3A_109 : memref<120x64xf32, #tpu.memory_space<vmem>>) target(%dma_start3A_106 : memref<120x64xf32, #tpu.memory_space<hbm>>) target_semaphore(%run_scoped3A : memref<!tpu.dma_semaphore, #tpu.memory_space<semaphore_mem>>)
      %dma_wait3A_110 = arith.constant 0 : i32
      %dma_wait3A_111 = arith.constant 0 : i32
      %dma_wait3A_112 = tpu.memref_slice %arg15[%dma_wait3A_110, %dma_wait3A_111] : memref<128x64xf32, #tpu.memory_space<vmem>> -> memref<120x64xf32, #tpu.memory_space<vmem>>
      %dma_wait3A_113 = arith.constant 0 : i32
      %dma_wait3A_114 = tpu.memref_slice %arg5[%arg0, %add3A_98, %dma_wait3A_113] : memref<2x10112x64xf32, #tpu.memory_space<hbm>> -> memref<1x120x64xf32, #tpu.memory_space<hbm>>
      %dma_wait3A_115 = tpu.memref_squeeze %dma_wait3A_114 : memref<1x120x64xf32, #tpu.memory_space<hbm>> -> memref<120x64xf32, #tpu.memory_space<hbm>>
      %dma_wait3A_116 = arith.constant 0 : i32
      %dma_wait3A_117 = tpu.memref_slice %arg5[%arg0, %add3A_98, %dma_wait3A_116] : memref<2x10112x64xf32, #tpu.memory_space<hbm>> -> memref<1x120x64xf32, #tpu.memory_space<hbm>>
      %dma_wait3A_118 = tpu.memref_squeeze %dma_wait3A_117 : memref<1x120x64xf32, #tpu.memory_space<hbm>> -> memref<120x64xf32, #tpu.memory_space<hbm>>
      %dma_wait3A_119 = arith.constant 0 : i32
      %dma_wait3A_120 = arith.constant 0 : i32
      %dma_wait3A_121 = tpu.memref_slice %arg15[%dma_wait3A_119, %dma_wait3A_120] : memref<128x64xf32, #tpu.memory_space<vmem>> -> memref<120x64xf32, #tpu.memory_space<vmem>>
      tpu.wait_dma2 semaphore(%run_scoped3A : memref<!tpu.dma_semaphore, #tpu.memory_space<semaphore_mem>>) src(%dma_wait3A_121 : memref<120x64xf32, #tpu.memory_space<vmem>>) dst(%dma_wait3A_118 : memref<120x64xf32, #tpu.memory_space<hbm>>)
      tpu.yield
    }) : () -> ()
    return
  }
}

module attributes {stable_mosaic.version = 14 : i64} {
  func.func @_pre_body(%arg0: i32, %arg1: memref<1000x128xf32, #tpu.memory_space<vmem>>, %arg2: memref<1000x8xf32, #tpu.memory_space<vmem>>, %arg3: memref<1000x8xf32, #tpu.memory_space<vmem>>, %arg4: memref<128x128xf32, #tpu.memory_space<vmem>>, %arg5: memref<128x128xf32, #tpu.memory_space<vmem>>, %arg6: memref<1x128xf32, #tpu.memory_space<vmem>>, %arg7: memref<1x128xf32, #tpu.memory_space<vmem>>, %arg8: memref<1000x64xf32, #tpu.memory_space<vmem>>, %arg9: memref<1000x64xf32, #tpu.memory_space<vmem>>, %arg10: memref<1000x128xf32, #tpu.memory_space<vmem>>, %arg11: memref<1000x1xf32, #tpu.memory_space<vmem>>) attributes {dimension_semantics = [#tpu.dimension_semantics<arbitrary>], iteration_bounds = array<i64: 10>, scalar_prefetch = 0 : i64, scratch_operands = 0 : i64, tpu.core_type = #tpu.core_type<tc>, window_params = [{transform_indices = @transform_0, window_bounds = array<i64: 1000, 128>}, {transform_indices = @transform_1, window_bounds = array<i64: 1000, 8>}, {transform_indices = @transform_2, window_bounds = array<i64: 1000, 8>}, {pipeline_mode = #tpu.pipeline_mode<synchronous>, transform_indices = @transform_3, window_bounds = array<i64: 128, 128>}, {pipeline_mode = #tpu.pipeline_mode<synchronous>, transform_indices = @transform_4, window_bounds = array<i64: 128, 128>}, {pipeline_mode = #tpu.pipeline_mode<synchronous>, transform_indices = @transform_5, window_bounds = array<i64: 1, 128>}, {pipeline_mode = #tpu.pipeline_mode<synchronous>, transform_indices = @transform_6, window_bounds = array<i64: 1, 128>}, {transform_indices = @transform_7, window_bounds = array<i64: 1000, 64>}, {transform_indices = @transform_8, window_bounds = array<i64: 1000, 64>}, {transform_indices = @transform_9, window_bounds = array<i64: 1000, 128>}, {transform_indices = @transform_10, window_bounds = array<i64: 1000, 1>}]} {
    %get3A = arith.constant 0 : index
    %get3A_0 = arith.constant 0 : index
    %get3A_1 = vector.load %arg1[%get3A, %get3A_0] : memref<1000x128xf32, #tpu.memory_space<vmem>>, vector<1000x128xf32>
    %get3A_2 = arith.constant 0 : index
    %get3A_3 = arith.constant 0 : index
    %get3A_4 = vector.load %arg2[%get3A_2, %get3A_3] : memref<1000x8xf32, #tpu.memory_space<vmem>>, vector<1000x8xf32>
    %slice3A = vector.extract_strided_slice %get3A_4 {offsets = [0, 0], sizes = [1000, 1], strides = [1, 1]} : vector<1000x8xf32> to vector<1000x1xf32>
    %add3A = arith.constant 1.000000e+00 : f32
    %add3A_5 = vector.broadcast %add3A : f32 to vector<1000x1xf32>
    %add3A_6 = arith.addf %add3A_5, %slice3A : vector<1000x1xf32>
    %get3A_7 = arith.constant 0 : index
    %get3A_8 = arith.constant 0 : index
    %get3A_9 = vector.load %arg3[%get3A_7, %get3A_8] : memref<1000x8xf32, #tpu.memory_space<vmem>>, vector<1000x8xf32>
    %slice3A_10 = vector.extract_strided_slice %get3A_9 {offsets = [0, 0], sizes = [1000, 1], strides = [1, 1]} : vector<1000x8xf32> to vector<1000x1xf32>
    %add3A_11 = arith.addf %add3A_6, %slice3A_10 : vector<1000x1xf32>
    %rsqrt3A = math.rsqrt %add3A_11 : vector<1000x1xf32>
    %get3A_12 = arith.constant 0 : index
    %get3A_13 = arith.constant 0 : index
    %get3A_14 = vector.load %arg4[%get3A_12, %get3A_13] : memref<128x128xf32, #tpu.memory_space<vmem>>, vector<128x128xf32>
    %dot_general3A = arith.constant dense<0.000000e+00> : vector<1000x128xf32>
    %dot_general3A_15 = tpu.matmul %get3A_1, %get3A_14, %dot_general3A {dimension_numbers = #tpu.dot_dimension_numbers<[1], [0], [0], [1], [0, 0, 1, 1], [], []>, transpose_lhs_hint = false} : vector<1000x128xf32>, vector<128x128xf32>, vector<1000x128xf32> -> vector<1000x128xf32>
    %mul3A = vector.broadcast %rsqrt3A : vector<1000x1xf32> to vector<1000x128xf32>
    %mul3A_16 = arith.mulf %dot_general3A_15, %mul3A : vector<1000x128xf32>
    %mul3A_17 = vector.broadcast %rsqrt3A : vector<1000x1xf32> to vector<1000x128xf32>
    %mul3A_18 = arith.mulf %mul3A_16, %mul3A_17 : vector<1000x128xf32>
    %get3A_19 = arith.constant 0 : index
    %get3A_20 = arith.constant 0 : index
    %get3A_21 = vector.load %arg5[%get3A_19, %get3A_20] : memref<128x128xf32, #tpu.memory_space<vmem>>, vector<128x128xf32>
    %dot_general3A_22 = arith.constant dense<0.000000e+00> : vector<1000x128xf32>
    %dot_general3A_23 = tpu.matmul %get3A_1, %get3A_21, %dot_general3A_22 {dimension_numbers = #tpu.dot_dimension_numbers<[1], [0], [0], [1], [0, 0, 1, 1], [], []>, transpose_lhs_hint = false} : vector<1000x128xf32>, vector<128x128xf32>, vector<1000x128xf32> -> vector<1000x128xf32>
    %add3A_24 = arith.addf %mul3A_18, %dot_general3A_23 : vector<1000x128xf32>
    %get3A_25 = arith.constant 0 : index
    %get3A_26 = arith.constant 0 : index
    %get3A_27 = vector.load %arg6[%get3A_25, %get3A_26] : memref<1x128xf32, #tpu.memory_space<vmem>>, vector<1x128xf32>
    %add3A_28 = vector.broadcast %get3A_27 : vector<1x128xf32> to vector<1000x128xf32>
    %add3A_29 = arith.addf %add3A_24, %add3A_28 : vector<1000x128xf32>
    %get3A_30 = arith.constant 0 : index
    %get3A_31 = arith.constant 0 : index
    %get3A_32 = vector.load %arg7[%get3A_30, %get3A_31] : memref<1x128xf32, #tpu.memory_space<vmem>>, vector<1x128xf32>
    %add3A_33 = vector.broadcast %get3A_32 : vector<1x128xf32> to vector<1000x128xf32>
    %add3A_34 = arith.addf %add3A_29, %add3A_33 : vector<1000x128xf32>
    %slice3A_35 = vector.extract_strided_slice %mul3A_16 {offsets = [0, 0], sizes = [1000, 64], strides = [1, 1]} : vector<1000x128xf32> to vector<1000x64xf32>
    %swap3A = arith.constant 0 : index
    %swap3A_36 = arith.constant 0 : index
    %swap3A_37 = vector.load %arg8[%swap3A, %swap3A_36] : memref<1000x64xf32, #tpu.memory_space<vmem>>, vector<1000x64xf32>
    tpu.vector_store %arg8[%swap3A, %swap3A_36], %slice3A_35 {strides = array<i32>} : memref<1000x64xf32, #tpu.memory_space<vmem>>, vector<1000x64xf32>,
    %slice3A_38 = vector.extract_strided_slice %mul3A_16 {offsets = [0, 64], sizes = [1000, 64], strides = [1, 1]} : vector<1000x128xf32> to vector<1000x64xf32>
    %swap3A_39 = arith.constant 0 : index
    %swap3A_40 = arith.constant 0 : index
    %swap3A_41 = vector.load %arg9[%swap3A_39, %swap3A_40] : memref<1000x64xf32, #tpu.memory_space<vmem>>, vector<1000x64xf32>
    tpu.vector_store %arg9[%swap3A_39, %swap3A_40], %slice3A_38 {strides = array<i32>} : memref<1000x64xf32, #tpu.memory_space<vmem>>, vector<1000x64xf32>,
    %swap3A_42 = arith.constant 0 : index
    %swap3A_43 = arith.constant 0 : index
    %swap3A_44 = vector.load %arg10[%swap3A_42, %swap3A_43] : memref<1000x128xf32, #tpu.memory_space<vmem>>, vector<1000x128xf32>
    tpu.vector_store %arg10[%swap3A_42, %swap3A_43], %add3A_34 {strides = array<i32>} : memref<1000x128xf32, #tpu.memory_space<vmem>>, vector<1000x128xf32>,
    %swap3A_45 = arith.constant 0 : index
    %swap3A_46 = arith.constant 0 : index
    %swap3A_47 = vector.load %arg11[%swap3A_45, %swap3A_46] : memref<1000x1xf32, #tpu.memory_space<vmem>>, vector<1000x1xf32>
    tpu.vector_store %arg11[%swap3A_45, %swap3A_46], %rsqrt3A {strides = array<i32>} : memref<1000x1xf32, #tpu.memory_space<vmem>>, vector<1000x1xf32>,
    return
  }
  func.func @transform_0(%arg0: i32) -> (i32, i32) {
    %c0_i32 = arith.constant 0 : i32
    %c0_i32_0 = arith.constant 0 : i32
    return %arg0, %c0_i32 : i32, i32
  }
  func.func @transform_1(%arg0: i32) -> (i32, i32) {
    %c0_i32 = arith.constant 0 : i32
    %c0_i32_0 = arith.constant 0 : i32
    return %arg0, %c0_i32 : i32, i32
  }
  func.func @transform_2(%arg0: i32) -> (i32, i32) {
    %c0_i32 = arith.constant 0 : i32
    %c0_i32_0 = arith.constant 0 : i32
    return %arg0, %c0_i32 : i32, i32
  }
  func.func @transform_3(%arg0: i32) -> (i32, i32) {
    %c0_i32 = arith.constant 0 : i32
    %c0_i32_0 = arith.constant 0 : i32
    %c0_i32_1 = arith.constant 0 : i32
    return %c0_i32, %c0_i32_0 : i32, i32
  }
  func.func @transform_4(%arg0: i32) -> (i32, i32) {
    %c0_i32 = arith.constant 0 : i32
    %c0_i32_0 = arith.constant 0 : i32
    %c0_i32_1 = arith.constant 0 : i32
    return %c0_i32, %c0_i32_0 : i32, i32
  }
  func.func @transform_5(%arg0: i32) -> (i32, i32) {
    %c0_i32 = arith.constant 0 : i32
    %c0_i32_0 = arith.constant 0 : i32
    %c0_i32_1 = arith.constant 0 : i32
    return %c0_i32, %c0_i32_0 : i32, i32
  }
  func.func @transform_6(%arg0: i32) -> (i32, i32) {
    %c0_i32 = arith.constant 0 : i32
    %c0_i32_0 = arith.constant 0 : i32
    %c0_i32_1 = arith.constant 0 : i32
    return %c0_i32, %c0_i32_0 : i32, i32
  }
  func.func @transform_7(%arg0: i32) -> (i32, i32) {
    %c0_i32 = arith.constant 0 : i32
    %c0_i32_0 = arith.constant 0 : i32
    return %arg0, %c0_i32 : i32, i32
  }
  func.func @transform_8(%arg0: i32) -> (i32, i32) {
    %c0_i32 = arith.constant 0 : i32
    %c0_i32_0 = arith.constant 0 : i32
    return %arg0, %c0_i32 : i32, i32
  }
  func.func @transform_9(%arg0: i32) -> (i32, i32) {
    %c0_i32 = arith.constant 0 : i32
    %c0_i32_0 = arith.constant 0 : i32
    return %arg0, %c0_i32 : i32, i32
  }
  func.func @transform_10(%arg0: i32) -> (i32, i32) {
    %c0_i32 = arith.constant 0 : i32
    %c0_i32_0 = arith.constant 0 : i32
    return %arg0, %c0_i32 : i32, i32
  }
}

module attributes {stable_mosaic.version = 14 : i64} {
  func.func @_post_body(%arg0: i32, %arg1: memref<2x1000x64xf32, #tpu.memory_space<vmem>>, %arg2: memref<1000x128xf32, #tpu.memory_space<vmem>>, %arg3: memref<1000x1xf32, #tpu.memory_space<vmem>>, %arg4: memref<1000x128xf32, #tpu.memory_space<vmem>>) attributes {dimension_semantics = [#tpu.dimension_semantics<arbitrary>], iteration_bounds = array<i64: 10>, scalar_prefetch = 0 : i64, scratch_operands = 0 : i64, tpu.core_type = #tpu.core_type<tc>, window_params = [{transform_indices = @transform_0, window_bounds = array<i64: 2, 1000, 64>}, {transform_indices = @transform_1, window_bounds = array<i64: 1000, 128>}, {transform_indices = @transform_2, window_bounds = array<i64: 1000, 1>}, {transform_indices = @transform_3, window_bounds = array<i64: 1000, 128>}]} {
    %get3A = arith.constant 0 : index
    %get3A_0 = arith.constant 0 : index
    %get3A_1 = arith.constant 0 : index
    %get3A_2 = vector.load %arg1[%get3A, %get3A_0, %get3A_1] : memref<2x1000x64xf32, #tpu.memory_space<vmem>>, vector<2x1000x64xf32>
    %slice3A = vector.extract_strided_slice %get3A_2 {offsets = [0, 0, 0], sizes = [1, 1000, 64], strides = [1, 1, 1]} : vector<2x1000x64xf32> to vector<1x1000x64xf32>
    %squeeze3A = vector.shape_cast %slice3A : vector<1x1000x64xf32> to vector<1000x64xf32>
    %slice3A_3 = vector.extract_strided_slice %get3A_2 {offsets = [1, 0, 0], sizes = [1, 1000, 64], strides = [1, 1, 1]} : vector<2x1000x64xf32> to vector<1x1000x64xf32>
    %squeeze3A_4 = vector.shape_cast %slice3A_3 : vector<1x1000x64xf32> to vector<1000x64xf32>
    %concatenate3A = tpu.concatenate %squeeze3A, %squeeze3A_4 in 1 : vector<1000x64xf32>, vector<1000x64xf32> -> vector<1000x128xf32>
    %get3A_5 = arith.constant 0 : index
    %get3A_6 = arith.constant 0 : index
    %get3A_7 = vector.load %arg3[%get3A_5, %get3A_6] : memref<1000x1xf32, #tpu.memory_space<vmem>>, vector<1000x1xf32>
    %mul3A = vector.broadcast %get3A_7 : vector<1000x1xf32> to vector<1000x128xf32>
    %mul3A_8 = arith.mulf %concatenate3A, %mul3A : vector<1000x128xf32>
    %get3A_9 = arith.constant 0 : index
    %get3A_10 = arith.constant 0 : index
    %get3A_11 = vector.load %arg2[%get3A_9, %get3A_10] : memref<1000x128xf32, #tpu.memory_space<vmem>>, vector<1000x128xf32>
    %add3A = arith.addf %mul3A_8, %get3A_11 : vector<1000x128xf32>
    %max3A = arith.constant 0.000000e+00 : f32
    %max3A_12 = vector.broadcast %max3A : f32 to vector<1000x128xf32>
    %max3A_13 = arith.maximumf %add3A, %max3A_12 : vector<1000x128xf32>
    %swap3A = arith.constant 0 : index
    %swap3A_14 = arith.constant 0 : index
    %swap3A_15 = vector.load %arg4[%swap3A, %swap3A_14] : memref<1000x128xf32, #tpu.memory_space<vmem>>, vector<1000x128xf32>
    tpu.vector_store %arg4[%swap3A, %swap3A_14], %max3A_13 {strides = array<i32>} : memref<1000x128xf32, #tpu.memory_space<vmem>>, vector<1000x128xf32>,
    return
  }
  func.func @transform_0(%arg0: i32) -> (i32, i32, i32) {
    %c0_i32 = arith.constant 0 : i32
    %c0_i32_0 = arith.constant 0 : i32
    %c0_i32_1 = arith.constant 0 : i32
    return %c0_i32, %arg0, %c0_i32_0 : i32, i32, i32
  }
  func.func @transform_1(%arg0: i32) -> (i32, i32) {
    %c0_i32 = arith.constant 0 : i32
    %c0_i32_0 = arith.constant 0 : i32
    return %arg0, %c0_i32 : i32, i32
  }
  func.func @transform_2(%arg0: i32) -> (i32, i32) {
    %c0_i32 = arith.constant 0 : i32
    %c0_i32_0 = arith.constant 0 : i32
    return %arg0, %c0_i32 : i32, i32
  }
  func.func @transform_3(%arg0: i32) -> (i32, i32) {
    %c0_i32 = arith.constant 0 : i32
    %c0_i32_0 = arith.constant 0 : i32
    return %arg0, %c0_i32 : i32, i32
  }
}

</mosaic_0001>

<sc_bundles>
// kernel: kernel.6.cloned.1.call-start
scs
__scs_entry_jumppad:
0x0: {  	(pc) =	sbr.rel $0x88, $3  }
0x1: {  	(tag) =	ssettag $0x0;
	lr =	simm.s32 $0x1  }
0x2: {  	[smem:$0x3F9B] =	sst lr;
	_ =	strace $0xD0000000  }
0x3: {  	_ = 	snop  }
0x4: {  	_ = 	snop  }
0x5: {  	_ = 	snop  }
0x6: {  	_ = 	snop  }
0x7: {  	_ = 	snop  }
__scs_overlays_trampoline_lowered:
0x8: {  	[smem:$0x3FAA] =	sst s0  }
0x9: {  	[smem:$0x3FAB] =	sst s1  }
0xa: {  	[smem:$0x3FAC] =	sst s2  }
0xb: {  	[smem:$0x3FAD] =	sst s3  }
0xc: {  	[smem:$0x3FAE] =	sst s4  }
0xd: {  	[smem:$0x3FAF] =	sst s5  }
0xe: {  	[smem:$0x3FB0] =	sst s6  }
0xf: {  	[smem:$0x3FB1] =	sst s7  }
0x10: {  	[smem:$0x3FB2] =	sst s8  }
0x11: {  	[smem:$0x3FB3] =	sst s9;
	s0 =	simm.s32 @!p0 $0x0  }
0x12: {  	s1 =	sld [smem:$0x3F99];
	s0 =	simm.s32 @p0 $0x1  }
0x13: {  	[smem:$0x3FB4] =	sst s0;
	s0 =	simm.s32 @!p1 $0x0  }
0x14: {  	s2 =	sld [smem:$0x3F98];
	s0 =	simm.s32 @p1 $0x1  }
0x15: {  	[smem:$0x3FB5] =	sst s0;
	s0 =	simm.s32 @!p2 $0x0  }
0x16: {  	s3 =	sld [smem:$0x3FDB];
	s0 =	simm.s32 @p2 $0x1  }
0x17: {  	s4 =	simm.s32 $0x1BF5;
	[smem:$0x3FB7] =	sst s0  }
0x18: {  	s0 =	sld [smem:$0x3F9A];
	_ =	swait.ge [sflag:s4], $0x0  }
0x19: {  	s7 =	sld [smem:$0x3F9B]  }
0x1a: {  	s8 =	sadd.s32 $0xFFFFE003, lr  }
0x1b: {  	s9 =	sadd.s32 $0xFFFFFEF7, lr;
	s5 =	simm.s32 $0xFFFFFFFF;
	p2 =	slt.u32 s8, $0xFFFFF086  }
0x1c: {  	p1 =	slt.u32 s9, $0xF7A;
	s5 =	simm.s32 @!p2 $0x0  }
0x1d: {  	s5 =	simm.s32 @p1 $0x1;
	p0 =	seq.s32 s7, s2  }
0x1e: {  	s7 =	smul.u32 @!p0 $0xF7A, s2;
	p2 =	seq.s32 @!p0 s5, $0x0  }
0x1f: {  	s9 =	smul.u32 $0xF7A, s1;
	s8 =	simm.s32 @!p0 $0x1BF5;
	p2 =	por !p2, p0  }
0x20: {  	[sflag:s8] =	ssyncset.s32 @!p0 $0xFFFFF086;
	s6 =	sadd.s32 @!p0 s3, s7;
	s7 =	simm.s32 @!p0 $0x108  }
0x21: {  	s3 =	sadd.s32 s3, s9;
	s6 =	sadd.s32 @!p0 $0x88, s6;
	s7 =	simm.s32 @p2 $0x1082  }
0x22: {  	[simem:s7], [sflag:s8] =	dma.local @!p0 [hbm:s6], $0xF7A  }
0x23: {  	s9 =	sor.u32 $0xD0000000, s2;
	s6 =	simm.s32 $0x108;
	_ =	swait.ge @!p0 [sflag:s8], $0x0  }
0x24: {  	s3 =	sadd.s32 $0x88, s3;
	s6 =	simm.s32 @!p1 $0x1082;
	[sflag:s4] =	ssyncset.s32 $0xFFFFF086  }
0x25: {  	[simem:s6], [sflag:s4] =	dma.local [hbm:s3], $0xF7A  }
0x26: {  	[smem:$0x3F9B] =	sst s1;
	(tag) =	ssettag s2;
	_ =	strace s9  }
0x27: {  	s1 =	sld [smem:$0x3FAB]  }
0x28: {  	s2 =	sld [smem:$0x3FAC]  }
0x29: {  	s4 =	sld [smem:$0x3FAE]  }
0x2a: {  	p0 =	seq.s32 s5, $0x0;
	s5 =	sld [smem:$0x3FAF]  }
0x2b: {  	s6 =	sld [smem:$0x3FB0]  }
0x2c: {  	s7 =	sld [smem:$0x3FB1]  }
0x2d: {  	s3 =	simm.s32 $0x108;
	s8 =	sld [smem:$0x3FB2]  }
0x2e: {  	s3 =	simm.s32 @!p0 $0x1082;
	s9 =	sld [smem:$0x3FB3]  }
0x2f: {  	lr =	sadd.s32 s0, s3;
	s0 =	sld [smem:$0x3FAA]  }
0x30: {  	s3 =	sld [smem:$0x3FAD]  }
0x31: {  	[smem:$0x3FB6] =	sst s10  }
0x32: {  	s10 =	sld [smem:$0x3FB4];
	_ =	sdelay $0x3  }
0x33: {  	p0 =	seq.s32 s10, $0x1;
	s10 =	sld [smem:$0x3FB6];
	_ =	sdelay $0x3  }
0x34: {  	[smem:$0x3FB6] =	sst s10  }
0x35: {  	s10 =	sld [smem:$0x3FB5];
	_ =	sdelay $0x3  }
0x36: {  	p1 =	seq.s32 s10, $0x1;
	s10 =	sld [smem:$0x3FB6];
	_ =	sdelay $0x3  }
0x37: {  	[smem:$0x3FB6] =	sst s10  }
0x38: {  	s10 =	sld [smem:$0x3FB7]  }
0x39: {  	_ = 	snop;
	(pc) =	sbr.ind lr, $3  }
0x3a: {  	_ = 	snop  }
0x3b: {  	_ = 	snop  }
0x3c: {  	p2 =	seq.s32 s10, $0x1;
	s10 =	sld [smem:$0x3FB6]  }
0x3d: {  	_ =	shalt  }
0x3e: {  	_ =	shalt  }
0x3f: {  	_ =	shalt  }
0x40: {  	_ =	shalt  }
0x41: {  	_ =	shalt  }
0x42: {  	_ =	shalt  }
0x43: {  	_ =	shalt  }
0x44: {  	_ =	shalt  }
0x45: {  	_ =	shalt  }
0x46: {  	_ =	shalt  }
0x47: {  	_ =	shalt  }
0x48: {  	_ =	shalt  }
0x49: {  	_ =	shalt  }
0x4a: {  	_ =	shalt  }
0x4b: {  	_ =	shalt  }
0x4c: {  	_ =	shalt  }
0x4d: {  	_ =	shalt  }
0x4e: {  	_ =	shalt  }
0x4f: {  	_ =	shalt  }
0x50: {  	_ =	shalt  }
0x51: {  	_ =	shalt  }
0x52: {  	_ =	shalt  }
0x53: {  	_ =	shalt  }
0x54: {  	_ =	shalt  }
0x55: {  	_ =	shalt  }
0x56: {  	_ =	shalt  }
0x57: {  	_ =	shalt  }
0x58: {  	_ =	shalt  }
0x59: {  	_ =	shalt  }
0x5a: {  	_ =	shalt  }
0x5b: {  	_ =	shalt  }
0x5c: {  	_ =	shalt  }
0x5d: {  	_ =	shalt  }
0x5e: {  	_ =	shalt  }
0x5f: {  	_ =	shalt  }
0x60: {  	_ =	shalt  }
0x61: {  	_ =	shalt  }
0x62: {  	_ =	shalt  }
0x63: {  	_ =	shalt  }
0x64: {  	_ =	shalt  }
0x65: {  	_ =	shalt  }
0x66: {  	_ =	shalt  }
0x67: {  	_ =	shalt  }
0x68: {  	_ =	shalt  }
0x69: {  	_ =	shalt  }
0x6a: {  	_ =	shalt  }
0x6b: {  	_ =	shalt  }
0x6c: {  	_ =	shalt  }
0x6d: {  	_ =	shalt  }
0x6e: {  	_ =	shalt  }
0x6f: {  	_ =	shalt  }
0x70: {  	_ =	shalt  }
0x71: {  	_ =	shalt  }
0x72: {  	_ =	shalt  }
0x73: {  	_ =	shalt  }
0x74: {  	_ =	shalt  }
0x75: {  	_ =	shalt  }
0x76: {  	_ =	shalt  }
0x77: {  	_ =	shalt  }
0x78: {  	_ =	shalt  }
0x79: {  	_ =	shalt  }
0x7a: {  	_ =	shalt  }
0x7b: {  	_ =	shalt  }
0x7c: {  	_ =	shalt  }
0x7d: {  	_ =	shalt  }
0x7e: {  	_ =	shalt  }
0x7f: {  	_ =	shalt  }
0x80: {  	_ =	shalt  }
0x81: {  	_ =	shalt  }
0x82: {  	_ =	shalt  }
0x83: {  	_ =	shalt  }
0x84: {  	_ =	shalt  }
0x85: {  	_ =	shalt  }
0x86: {  	_ =	shalt  }
0x87: {  	_ =	shalt  }
.Lfunc_end0:
.L_simem_size_0:
called_computation_lowered:
.L_overlay_start_0:
0x88: {  	s2 =	sld [smem:$0x3FD9]  }
0x89: {  	s3 =	sld [smem:$0x3FFE];
	_ =	sdelay $0x1  }
0x8a: {  	s1 =	srdreg.scid  }
0x8b: {  	s0 =	sand.u32 $0x1, s1  }
0x8c: {  	s17 =	sshll.u32 s0, $0xA;
	s2 =	sadd.s32 s3, s2  }
0x8d: {  	s2 =	sadd.s32 s2, s17  }
0x8e: {  	[smem:$0x3FC2] =	sst s2  }
0x8f: {  	_ = 	snop  }
0x90: {  	s2 =	sld [smem:$0x3FD0];
	(tm) =	ssettm $0x1  }
0x91: {  	s18 =	sld [smem:$0x3FFB];
	_ =	sdelay $0x3  }
0x92: {  	_ =	strace s18  }
0x93: {  	s3 =	sld [smem:$0x3FFC];
	_ =	sdelay $0x3  }
0x94: {  	_ =	strace s3  }
0x95: {  	s3 =	sld [smem:$0x3FFD];
	_ =	sdelay $0x3  }
0x96: {  	_ =	strace s3  }
0x97: {  	_ =	strace $0x8FFFFFFF  }
0x98: {  	s19 =	sld [smem:$0x3FDB];
	_ =	sdelay $0x1  }
0x99: {  	s4 =	simm.s32 $_scs_section_size  }
0x9a: {  	s5 =	simm.s32 $_size__tile_overlayer_lowered;
	s6 =	simm.s32 $_tile_overlayer_lowered  }
0x9b: {  	s22 =	simm.s32 $0x1BFF;
	s21 =	sshll.u32 s6, $0x1;
	s3 =	sadd.s32 s4, s19  }
0x9c: {  	s7 =	simm.s32 $0x0;
	s20 =	sshll.u32 s5, $0x1;
	s5 =	sadd.s32 s21, s3  }
0x9d: {  	[timem:s7], [sflag:s22] =	dma.local [hbm:s5], s20  }
0x9e: {  	_ =	swait.ge [sflag:s22], s20  }
0x9f: {  	s4 =	ssub.s32 $0x0, s20;
	[sflag:s22] =	ssyncset.done $0x0  }
0xa0: {  	[sflag:s22] =	ssyncadd.s32 s4;
	_ =	sdelay $0x1  }
0xa1: {  	s23 =	simm.s32 $0x1B8B  }
0xa2: {  	_ =	swait.ge [sflag:s23], $0x1  }
0xa3: {  	[sflag:s23] =	ssyncset.done $0x0  }
0xa4: {  	s25 =	simm.s32 $0x1B8E;
	s24 =	sld [smem:$0x3FFE];
	[sflag:s23] =	ssyncadd.s32 $0xFFFFFFFF  }
0xa5: {  	s26 =	simm.s32 $execute0_lowered;
	[smem:$0x3FD2] =	sst s25  }
0xa6: {  	s5 =	sshll.u32 s26, $0x1;
	_ =	strace $0x80000046;
	[dreg:$0x1] =	wrdreg $0xFFFFFFFF  }
0xa7: {  	s28 =	simm.s32 $_size_execute0_lowered;
	s3 =	sadd.s32 s3, s5;
	[dreg:$0x0] =	wrdreg $0x0  }
0xa8: {  	s5 =	sshll.u32 s28, $0x1;
	[dreg:$0x2] =	wrdreg s3  }
0xa9: {  	[dreg:$0x3] =	wrdreg s5  }
0xaa: {  	[dreg:$0x4] =	wrdreg $0xC0  }
0xab: {  	_ =	task [dreg:s7], $0x5FFFF  }
0xac: {  	[dreg:$0x1] =	wrdreg $0xFFFFFFFF  }
0xad: {  	[dreg:$0x0] =	wrdreg $0x60  }
0xae: {  	[dreg:$0x2] =	wrdreg s2  }
0xaf: {  	[dreg:$0x3] =	wrdreg s24  }
0xb0: {  	[dreg:$0x4] =	wrdreg $0x68000  }
0xb1: {  	[dreg:$0x5] =	wrdreg $0x9  }
0xb2: {  	_ =	task.clear_ibuf [dreg:s7], $0x6FFFF;
	_ =	strace $0x90000046  }
0xb3: {  	s29 =	simm.s32 $0x9;
	_ =	strace $0x80000048  }
0xb4: {  	_ =	swait.ge [sflag:s29], $0x1  }
0xb5: {  	[sflag:s29] =	ssyncadd.s32 $0xFFFFFFFF  }
0xb6: {  	_ =	strace $0x90000048  }
0xb7: {  	_ =	sfence  }
0xb8: {  	s30 =	sld [smem:$0x0];
	_ =	sdelay $0x2  }
0xb9: {  	s31 =	sshll.u32 s1, $0xD;
	s1 =	sshrl.u32 s1, $0x2  }
0xba: {  	s3 =	sand.u32 $0x4000, s31;
	s1 =	sadd.s32 s1, s30  }
0xbb: {  	s0 =	sor.u32 s3, s0;
	s1 =	sshll.u32 s1, $0x11  }
0xbc: {  	s0 =	sor.u32 s1, s0  }
0xbd: {  	s0 =	sadd.s32 $0x8F2B, s0  }
0xbe: {  	[sflag:s0] =	ssyncadd.remote.s32 $0x1  }
0xbf: {  	_ =	sfence.sel $0xFFFF  }
0xc0: {  	[dreg:$0x0] =	wrdreg $0xFFFFFFFF;
	(pc) =	sbr.abs _section_cstart, $3  }
0xc1: {  	[dreg:$0x1] =	wrdreg $0xFFFFFFFF  }
0xc2: {  	_ =	task.clear_ibuf [dreg:s7], $0x2FFFF;
	_ =	strace $0x9FFFFFFF  }
0xc3: {  	(tm) =	ssettm $0x7FFFFFFF  }
tec
execute0_lowered:
.L_overlay_start_1:
0x0: {  	(tag) =	ssettag $0x1  }
0x1: {  	s6 =	rddreg [dreg:$0x0]  }
0x2: {  	s7 =	rddreg [dreg:$0x1];
	s1 =	srdreg.scid  }
0x3: {  	s0 =	stileid.u32;
	s2 =	rddreg [dreg:$0x2]  }
0x4: {  	s3 =	simm.s32 $0x0;
	s13 =	simm.s32 $0x5400;
	s14 =	simm.s32 $0x80  }
0x5: {  	s8 =	sand.u32 $0x1, s1;
	s9 =	smul.u32 $0x1400, s0;
	s1 =	rddreg [dreg:$0x3]  }
0x6: {  	s15 =	simm.s32 $0x0;
	[smem:$0x7FF] =	sst s3;
	s12 =	smul.u32 $0xA00, s0  }
0x7: {  	s4 =	sadd.s32 $0x800, s7;
	s5 =	smul.u32 $0x14000, s8;
	s11 =	ssub.s32 $0x2, s8  }
0x8: {  	_ =	strace $0x80000047;
	s31 =	smul.u32 $0xA000, s8;
	s30 =	sshrl.u32 s11, $0x1  }
0x9: {  	s6 =	sadd.s32 s6, s12;
	s12 =	simm.s32 $0x5000;
	s5 =	sadd.s32 s9, s5  }
0xa: {  	s11 =	ssub.s32 s11, s30;
	s10 =	sshrl.u32 s5, $0x3;
	s5 =	sadd.s32 $0xA00, s7  }
0xb: {  	s10 =	sadd.s32 s10, s7;
	s7 =	sadd.s32 s9, s2;
	s9 =	smax.u32 s11, $0x1  }
0xc: {  	s11 =	simm.s32 $0x1;
	s8 =	sadd.s32 $0xE00, s10;
	s10 =	sshrl.u32 s31, $0x2  }
.LBB2_1:
0xd: {  	[tilespmem:s3], [sflag:$0x1] =	stream.linear.gather [hbm4b:s6+s3], $0x5000, $0x38;
	[tilespmem:$0x7C00] =	vst v63  }
0xe: {  	_ =	swait.ge [sflag:s11], $0x5000  }
0xf: {  	[sflag:s11] =	ssyncset.done $0x0  }
0x10: {  	[sflag:s11] =	ssyncadd.s32 $0xFFFFB000  }
0x11: {  	[tilespmem:s12], [sflag:$0x1] =	stream.linear.gather [hbm4b:s4+s3], $0x400, $0x38;
	[tilespmem:$0x7C00] =	vst v63  }
0x12: {  	_ =	swait.ge [sflag:s11], $0x400  }
0x13: {  	[sflag:s11] =	ssyncset.done $0x0  }
0x14: {  	[sflag:s11] =	ssyncadd.s32 $0xFFFFFC00  }
0x15: {  	[tilespmem:s13], [sflag:$0x1] =	stream.linear.gather [hbm4b:s5+s3], $0x1400, $0x38;
	[tilespmem:$0x7C00] =	vst v63  }
0x16: {  	_ =	swait.ge [sflag:s11], $0x1400  }
0x17: {  	[sflag:s11] =	ssyncset.done $0x0  }
0x18: {  	[sflag:s11] =	ssyncadd.s32 $0xFFFFEC00  }
0x19: {  	[spmem:s7] =	stream.linear.scatter [tilespmem:s13], [sflag:$0x1], $0x1400, $0x38;
	[tilespmem:$0x7C00] =	vst v63  }
0x1a: {  	_ =	swait.ge [sflag:s11], $0x1400  }
0x1b: {  	[sflag:s11] =	ssyncset.done $0x0  }
0x1c: {  	[sflag:s11] =	ssyncadd.s32 $0xFFFFEC00  }
0x1d: {  	s16 =	sadd.s32 $0x0, s10;
	[bflag:$0x0] =	sbarrier.arrive $0xFFFF  }
0x1e: {  	[spmem:s2] =	stream.indirect.scatter.add.f32 [tilespmem:s12], [sflag:$0x1], $0x8, s16, s14, $0xb8;
	[tilespmem:$0x7C00] =	vst v63  }
0x1f: {  	s16 =	simm.s32 $0x200;
	_ =	swait.ge [sflag:s11], $0x400  }
.LBB2_2:
0x20: {  	s17 =	sshra.s32 s16, $0x2;
	[sflag:s11] =	ssyncset.done $0x0;
	p0 =	sne.s32 s16, $0x9E00  }
.Ltmp0:
0x21: {  	s17 =	sadd.s32 s17, s10;
	[sflag:s11] =	ssyncadd.s32 $0xFFFFFC00;
	(pc) =	sbr.rel @p0 .LBB2_2-.Ltmp0, $3  }
0x22: {  	[spmem:s2] =	stream.indirect.scatter.add.f32 [tilespmem:s12], [sflag:$0x1], $0x8, s17, s14, $0xb8;
	[tilespmem:$0x7C00] =	vst v63  }
0x23: {  	s16 =	sadd.s32 $0x200, s16;
	_ =	sdelay $0x1  }
0x24: {  	_ =	swait.ge [sflag:s11], $0x400  }
0x25: {  	[sflag:s11] =	ssyncset.done $0x0  }
0x26: {  	[sflag:s11] =	ssyncadd.s32 $0xFFFFFC00  }
0x27: {  	[bflag:$0x0] =	sbarrier.arrive $0xFFFF  }
0x28: {  	[tilespmem:s13], [sflag:$0x1] =	stream.linear.gather [spmem:s7], $0x1400, $0x38;
	[tilespmem:$0x7C00] =	vst v63  }
0x29: {  	s15 =	sadd.s32 $0x1, s15;
	_ =	swait.ge [sflag:s11], $0x1400  }
0x2a: {  	p0 =	sne.s32 s15, s9;
	[sflag:s11] =	ssyncset.done $0x0  }
.Ltmp1:
0x2b: {  	[sflag:s11] =	ssyncadd.s32 $0xFFFFEC00;
	(pc) =	sbr.rel @p0 .LBB2_1-.Ltmp1, $4  }
0x2c: {  	[hbm4b:s8+s3] =	stream.linear.scatter [tilespmem:s13], [sflag:$0x1], $0x1400, $0x38;
	[tilespmem:$0x7C00] =	vst v63  }
0x2d: {  	_ =	swait.ge [sflag:s11], $0x1400  }
0x2e: {  	[sflag:s11] =	ssyncset.done $0x0  }
0x2f: {  	[sflag:s11] =	ssyncadd.s32 $0xFFFFEC00  }
0x30: {  	_ =	sfence.sel $0x180000  }
0x31: {  	[bflag:$0x0] =	sbarrier.arrive $0xFFFF  }
0x32: {  	p0 =	sne.s32 s0, $0x0;
	_ =	strace $0x90000047  }
0x33: {  	s0 =	sadd.s32 @!p0 $0x100000, s1;
	[bflag:$0x2] =	sbarrier.arrive $0xFFFF  }
0x34: {  	[sflag:s0] =	ssyncadd.tile.s32 @!p0 $0x1;
	_ =	shalt  }
.Lfunc_end2:
_tile_overlayer_lowered:
.L_overlay_start_2:
0x35: {  	(tag) =	ssettag $0x2  }
0x36: {  	s0 =	rddreg [dreg:$0x0];
	s2 =	stileid.u32  }
0x37: {  	s1 =	rddreg [dreg:$0x1];
	p0 =	sne.s32 s2, $0x0  }
0x38: {  	s3 =	rddreg [dreg:$0x2];
	[bflag:$0x3] =	sbarrier.arrive $0xFFFF;
	s2 =	simm.s32 @!p0 $0x1C01  }
0x39: {  	[timem:s3], [sflag:s2] =	dma.local @!p0 [hbm:s0], s1  }
0x3a: {  	s0 =	simm.s32 @!p0 $0x1  }
0x3b: {  	_ =	swait.ge @!p0 [sflag:s0], s1  }
0x3c: {  	s1 =	ssub.s32 @!p0 $0x0, s1;
	[sflag:s0] =	ssyncset.done @!p0 $0x0  }
0x3d: {  	[sflag:s0] =	ssyncadd.s32 @!p0 s1  }
0x3e: {  	[bflag:$0x3] =	sbarrier.arrive $0xFFFF  }
0x3f: {  	_ =	shalt  }

// kernel: kernel.9.cloned.1.call-start
scs
__scs_entry_jumppad:
0x0: {  	(pc) =	sbr.rel $0x88, $3  }
0x1: {  	(tag) =	ssettag $0x0;
	lr =	simm.s32 $0x1  }
0x2: {  	[smem:$0x3F9B] =	sst lr;
	_ =	strace $0xD0000000  }
0x3: {  	_ = 	snop  }
0x4: {  	_ = 	snop  }
0x5: {  	_ = 	snop  }
0x6: {  	_ = 	snop  }
0x7: {  	_ = 	snop  }
__scs_overlays_trampoline_lowered:
0x8: {  	[smem:$0x3FAA] =	sst s0  }
0x9: {  	[smem:$0x3FAB] =	sst s1  }
0xa: {  	[smem:$0x3FAC] =	sst s2  }
0xb: {  	[smem:$0x3FAD] =	sst s3  }
0xc: {  	[smem:$0x3FAE] =	sst s4  }
0xd: {  	[smem:$0x3FAF] =	sst s5  }
0xe: {  	[smem:$0x3FB0] =	sst s6  }
0xf: {  	[smem:$0x3FB1] =	sst s7  }
0x10: {  	[smem:$0x3FB2] =	sst s8  }
0x11: {  	[smem:$0x3FB3] =	sst s9;
	s0 =	simm.s32 @!p0 $0x0  }
0x12: {  	s1 =	sld [smem:$0x3F99];
	s0 =	simm.s32 @p0 $0x1  }
0x13: {  	[smem:$0x3FB4] =	sst s0;
	s0 =	simm.s32 @!p1 $0x0  }
0x14: {  	s2 =	sld [smem:$0x3F98];
	s0 =	simm.s32 @p1 $0x1  }
0x15: {  	[smem:$0x3FB5] =	sst s0;
	s0 =	simm.s32 @!p2 $0x0  }
0x16: {  	s3 =	sld [smem:$0x3FDB];
	s0 =	simm.s32 @p2 $0x1  }
0x17: {  	s4 =	simm.s32 $0x1BF5;
	[smem:$0x3FB7] =	sst s0  }
0x18: {  	s0 =	sld [smem:$0x3F9A];
	_ =	swait.ge [sflag:s4], $0x0  }
0x19: {  	s7 =	sld [smem:$0x3F9B]  }
0x1a: {  	s8 =	sadd.s32 $0xFFFFE003, lr  }
0x1b: {  	s9 =	sadd.s32 $0xFFFFFEF7, lr;
	s5 =	simm.s32 $0xFFFFFFFF;
	p2 =	slt.u32 s8, $0xFFFFF086  }
0x1c: {  	p1 =	slt.u32 s9, $0xF7A;
	s5 =	simm.s32 @!p2 $0x0  }
0x1d: {  	s5 =	simm.s32 @p1 $0x1;
	p0 =	seq.s32 s7, s2  }
0x1e: {  	s7 =	smul.u32 @!p0 $0xF7A, s2;
	p2 =	seq.s32 @!p0 s5, $0x0  }
0x1f: {  	s9 =	smul.u32 $0xF7A, s1;
	s8 =	simm.s32 @!p0 $0x1BF5;
	p2 =	por !p2, p0  }
0x20: {  	[sflag:s8] =	ssyncset.s32 @!p0 $0xFFFFF086;
	s6 =	sadd.s32 @!p0 s3, s7;
	s7 =	simm.s32 @!p0 $0x108  }
0x21: {  	s3 =	sadd.s32 s3, s9;
	s6 =	sadd.s32 @!p0 $0x88, s6;
	s7 =	simm.s32 @p2 $0x1082  }
0x22: {  	[simem:s7], [sflag:s8] =	dma.local @!p0 [hbm:s6], $0xF7A  }
0x23: {  	s9 =	sor.u32 $0xD0000000, s2;
	s6 =	simm.s32 $0x108;
	_ =	swait.ge @!p0 [sflag:s8], $0x0  }
0x24: {  	s3 =	sadd.s32 $0x88, s3;
	s6 =	simm.s32 @!p1 $0x1082;
	[sflag:s4] =	ssyncset.s32 $0xFFFFF086  }
0x25: {  	[simem:s6], [sflag:s4] =	dma.local [hbm:s3], $0xF7A  }
0x26: {  	[smem:$0x3F9B] =	sst s1;
	(tag) =	ssettag s2;
	_ =	strace s9  }
0x27: {  	s1 =	sld [smem:$0x3FAB]  }
0x28: {  	s2 =	sld [smem:$0x3FAC]  }
0x29: {  	s4 =	sld [smem:$0x3FAE]  }
0x2a: {  	p0 =	seq.s32 s5, $0x0;
	s5 =	sld [smem:$0x3FAF]  }
0x2b: {  	s6 =	sld [smem:$0x3FB0]  }
0x2c: {  	s7 =	sld [smem:$0x3FB1]  }
0x2d: {  	s3 =	simm.s32 $0x108;
	s8 =	sld [smem:$0x3FB2]  }
0x2e: {  	s3 =	simm.s32 @!p0 $0x1082;
	s9 =	sld [smem:$0x3FB3]  }
0x2f: {  	lr =	sadd.s32 s0, s3;
	s0 =	sld [smem:$0x3FAA]  }
0x30: {  	s3 =	sld [smem:$0x3FAD]  }
0x31: {  	[smem:$0x3FB6] =	sst s10  }
0x32: {  	s10 =	sld [smem:$0x3FB4];
	_ =	sdelay $0x3  }
0x33: {  	p0 =	seq.s32 s10, $0x1;
	s10 =	sld [smem:$0x3FB6];
	_ =	sdelay $0x3  }
0x34: {  	[smem:$0x3FB6] =	sst s10  }
0x35: {  	s10 =	sld [smem:$0x3FB5];
	_ =	sdelay $0x3  }
0x36: {  	p1 =	seq.s32 s10, $0x1;
	s10 =	sld [smem:$0x3FB6];
	_ =	sdelay $0x3  }
0x37: {  	[smem:$0x3FB6] =	sst s10  }
0x38: {  	s10 =	sld [smem:$0x3FB7]  }
0x39: {  	_ = 	snop;
	(pc) =	sbr.ind lr, $3  }
0x3a: {  	_ = 	snop  }
0x3b: {  	_ = 	snop  }
0x3c: {  	p2 =	seq.s32 s10, $0x1;
	s10 =	sld [smem:$0x3FB6]  }
0x3d: {  	_ =	shalt  }
0x3e: {  	_ =	shalt  }
0x3f: {  	_ =	shalt  }
0x40: {  	_ =	shalt  }
0x41: {  	_ =	shalt  }
0x42: {  	_ =	shalt  }
0x43: {  	_ =	shalt  }
0x44: {  	_ =	shalt  }
0x45: {  	_ =	shalt  }
0x46: {  	_ =	shalt  }
0x47: {  	_ =	shalt  }
0x48: {  	_ =	shalt  }
0x49: {  	_ =	shalt  }
0x4a: {  	_ =	shalt  }
0x4b: {  	_ =	shalt  }
0x4c: {  	_ =	shalt  }
0x4d: {  	_ =	shalt  }
0x4e: {  	_ =	shalt  }
0x4f: {  	_ =	shalt  }
0x50: {  	_ =	shalt  }
0x51: {  	_ =	shalt  }
0x52: {  	_ =	shalt  }
0x53: {  	_ =	shalt  }
0x54: {  	_ =	shalt  }
0x55: {  	_ =	shalt  }
0x56: {  	_ =	shalt  }
0x57: {  	_ =	shalt  }
0x58: {  	_ =	shalt  }
0x59: {  	_ =	shalt  }
0x5a: {  	_ =	shalt  }
0x5b: {  	_ =	shalt  }
0x5c: {  	_ =	shalt  }
0x5d: {  	_ =	shalt  }
0x5e: {  	_ =	shalt  }
0x5f: {  	_ =	shalt  }
0x60: {  	_ =	shalt  }
0x61: {  	_ =	shalt  }
0x62: {  	_ =	shalt  }
0x63: {  	_ =	shalt  }
0x64: {  	_ =	shalt  }
0x65: {  	_ =	shalt  }
0x66: {  	_ =	shalt  }
0x67: {  	_ =	shalt  }
0x68: {  	_ =	shalt  }
0x69: {  	_ =	shalt  }
0x6a: {  	_ =	shalt  }
0x6b: {  	_ =	shalt  }
0x6c: {  	_ =	shalt  }
0x6d: {  	_ =	shalt  }
0x6e: {  	_ =	shalt  }
0x6f: {  	_ =	shalt  }
0x70: {  	_ =	shalt  }
0x71: {  	_ =	shalt  }
0x72: {  	_ =	shalt  }
0x73: {  	_ =	shalt  }
0x74: {  	_ =	shalt  }
0x75: {  	_ =	shalt  }
0x76: {  	_ =	shalt  }
0x77: {  	_ =	shalt  }
0x78: {  	_ =	shalt  }
0x79: {  	_ =	shalt  }
0x7a: {  	_ =	shalt  }
0x7b: {  	_ =	shalt  }
0x7c: {  	_ =	shalt  }
0x7d: {  	_ =	shalt  }
0x7e: {  	_ =	shalt  }
0x7f: {  	_ =	shalt  }
0x80: {  	_ =	shalt  }
0x81: {  	_ =	shalt  }
0x82: {  	_ =	shalt  }
0x83: {  	_ =	shalt  }
0x84: {  	_ =	shalt  }
0x85: {  	_ =	shalt  }
0x86: {  	_ =	shalt  }
0x87: {  	_ =	shalt  }
.Lfunc_end0:
.L_simem_size_0:
called_computation.1_lowered:
.L_overlay_start_0:
0x88: {  	s2 =	sld [smem:$0x3FD9]  }
0x89: {  	s3 =	sld [smem:$0x3FFE];
	_ =	sdelay $0x1  }
0x8a: {  	s1 =	srdreg.scid  }
0x8b: {  	s0 =	sand.u32 $0x1, s1  }
0x8c: {  	s17 =	sshll.u32 s0, $0xA;
	s2 =	sadd.s32 s3, s2  }
0x8d: {  	s2 =	sadd.s32 s2, s17  }
0x8e: {  	[smem:$0x3FC2] =	sst s2  }
0x8f: {  	_ = 	snop  }
0x90: {  	s2 =	sld [smem:$0x3FD0];
	(tm) =	ssettm $0x1  }
0x91: {  	s18 =	sld [smem:$0x3FFB];
	_ =	sdelay $0x3  }
0x92: {  	_ =	strace s18  }
0x93: {  	s3 =	sld [smem:$0x3FFC];
	_ =	sdelay $0x3  }
0x94: {  	_ =	strace s3  }
0x95: {  	s3 =	sld [smem:$0x3FFD];
	_ =	sdelay $0x3  }
0x96: {  	_ =	strace s3  }
0x97: {  	_ =	strace $0x8FFFFFFF  }
0x98: {  	s19 =	sld [smem:$0x3FDB];
	_ =	sdelay $0x1  }
0x99: {  	s4 =	simm.s32 $_scs_section_size  }
0x9a: {  	s5 =	simm.s32 $_size__tile_overlayer_lowered;
	s6 =	simm.s32 $_tile_overlayer_lowered  }
0x9b: {  	s22 =	simm.s32 $0x1BFF;
	s21 =	sshll.u32 s6, $0x1;
	s3 =	sadd.s32 s4, s19  }
0x9c: {  	s7 =	simm.s32 $0x0;
	s20 =	sshll.u32 s5, $0x1;
	s5 =	sadd.s32 s21, s3  }
0x9d: {  	[timem:s7], [sflag:s22] =	dma.local [hbm:s5], s20  }
0x9e: {  	_ =	swait.ge [sflag:s22], s20  }
0x9f: {  	s4 =	ssub.s32 $0x0, s20;
	[sflag:s22] =	ssyncset.done $0x0  }
0xa0: {  	[sflag:s22] =	ssyncadd.s32 s4;
	_ =	sdelay $0x1  }
0xa1: {  	s23 =	simm.s32 $0x1B8B  }
0xa2: {  	_ =	swait.ge [sflag:s23], $0x1  }
0xa3: {  	[sflag:s23] =	ssyncset.done $0x0  }
0xa4: {  	s25 =	simm.s32 $0x1B8E;
	s24 =	sld [smem:$0x3FFE];
	[sflag:s23] =	ssyncadd.s32 $0xFFFFFFFF  }
0xa5: {  	s26 =	simm.s32 $execute0_lowered;
	[smem:$0x3FD2] =	sst s25  }
0xa6: {  	s5 =	sshll.u32 s26, $0x1;
	_ =	strace $0x80000049;
	[dreg:$0x1] =	wrdreg $0xFFFFFFFF  }
0xa7: {  	s28 =	simm.s32 $_size_execute0_lowered;
	s3 =	sadd.s32 s3, s5;
	[dreg:$0x0] =	wrdreg $0x0  }
0xa8: {  	s5 =	sshll.u32 s28, $0x1;
	[dreg:$0x2] =	wrdreg s3  }
0xa9: {  	[dreg:$0x3] =	wrdreg s5  }
0xaa: {  	[dreg:$0x4] =	wrdreg $0xC0  }
0xab: {  	_ =	task [dreg:s7], $0x5FFFF  }
0xac: {  	[dreg:$0x1] =	wrdreg $0xFFFFFFFF  }
0xad: {  	[dreg:$0x0] =	wrdreg $0x60  }
0xae: {  	[dreg:$0x2] =	wrdreg s2  }
0xaf: {  	[dreg:$0x3] =	wrdreg s24  }
0xb0: {  	[dreg:$0x4] =	wrdreg $0x128000  }
0xb1: {  	[dreg:$0x5] =	wrdreg $0x9  }
0xb2: {  	_ =	task.clear_ibuf [dreg:s7], $0x6FFFF;
	_ =	strace $0x90000049  }
0xb3: {  	s29 =	simm.s32 $0x9;
	_ =	strace $0x8000004B  }
0xb4: {  	_ =	swait.ge [sflag:s29], $0x1  }
0xb5: {  	[sflag:s29] =	ssyncadd.s32 $0xFFFFFFFF  }
0xb6: {  	_ =	strace $0x9000004B  }
0xb7: {  	_ =	sfence  }
0xb8: {  	s30 =	sld [smem:$0x0];
	_ =	sdelay $0x2  }
0xb9: {  	s31 =	sshll.u32 s1, $0xD;
	s1 =	sshrl.u32 s1, $0x2  }
0xba: {  	s3 =	sand.u32 $0x4000, s31;
	s1 =	sadd.s32 s1, s30  }
0xbb: {  	s0 =	sor.u32 s3, s0;
	s1 =	sshll.u32 s1, $0x11  }
0xbc: {  	s0 =	sor.u32 s1, s0  }
0xbd: {  	s0 =	sadd.s32 $0x8F2B, s0  }
0xbe: {  	[sflag:s0] =	ssyncadd.remote.s32 $0x1  }
0xbf: {  	_ =	sfence.sel $0xFFFF  }
0xc0: {  	[dreg:$0x0] =	wrdreg $0xFFFFFFFF;
	(pc) =	sbr.abs _section_cstart, $3  }
0xc1: {  	[dreg:$0x1] =	wrdreg $0xFFFFFFFF  }
0xc2: {  	_ =	task.clear_ibuf [dreg:s7], $0x2FFFF;
	_ =	strace $0x9FFFFFFF  }
0xc3: {  	(tm) =	ssettm $0x7FFFFFFF  }
tec
execute0_lowered:
.L_overlay_start_1:
0x0: {  	(tag) =	ssettag $0x1  }
0x1: {  	s0 =	rddreg [dreg:$0x0]  }
0x2: {  	s1 =	rddreg [dreg:$0x1]  }
0x3: {  	s2 =	rddreg [dreg:$0x2];
	s3 =	simm.s32 $0x0;
	s6 =	stileid.u32  }
0x4: {  	s5 =	srdreg.scid;
	s26 =	simm.s32 $0x100;
	s28 =	simm.s32 $0xE800  }
0x5: {  	s29 =	simm.s32 $0x1;
	s30 =	simm.s32 $0x2;
	s31 =	simm.s32 $0x3  }
0x6: {  	[smem:$0x7FF] =	sst s3;
	s4 =	smul.u32 $0x1400, s6;
	s7 =	sand.u32 $0x1, s5  }
0x7: {  	s11 =	smul.u32 $0x9E00, s6;
	s16 =	sadd.s32 $0x800, s1;
	_ =	strace $0x8000004A  }
0x8: {  	s5 =	ssub.s32 $0x2, s7;
	[dreg:$0x13] =	wrdreg s16;
	s10 =	smul.u32 $0x13880, s7  }
0x9: {  	[dreg:$0x5] =	wrdreg s26;
	s26 =	simm.s32 $0x780;
	s4 =	sadd.s32 s4, s1  }
0xa: {  	s1 =	sadd.s32 $0x19E00, s1;
	s17 =	sshrl.u32 s5, $0x1;
	s6 =	sadd.s32 s11, s2  }
0xb: {  	s13 =	sadd.s32 $0x2000, s11;
	s14 =	sadd.s32 $0x4000, s11;
	s15 =	sadd.s32 $0x6000, s11  }
0xc: {  	s16 =	sadd.s32 $0x8000, s11;
	[dreg:$0x12] =	wrdreg s26;
	s26 =	simm.s32 $0xC800  }
0xd: {  	s12 =	ssub.s32 s5, s17;
	s18 =	sadd.s32 s13, s2;
	s4 =	sadd.s32 $0x5E00, s4  }
0xe: {  	s17 =	smul.u32 $0x9E000, s7;
	s5 =	simm.s32 $0x200;
	[dreg:$0x4] =	wrdreg s4  }
0xf: {  	s19 =	sadd.s32 s14, s2;
	s9 =	sadd.s32 s16, s2;
	[dreg:$0x6] =	wrdreg s5  }
0x10: {  	s8 =	sadd.s32 s15, s2;
	s10 =	sadd.s32 s0, s10;
	[dreg:$0x15] =	wrdreg s9  }
0x11: {  	s20 =	sadd.s32 s11, s17;
	s21 =	sadd.s32 s17, s13;
	s22 =	sadd.s32 s17, s14  }
0x12: {  	s14 =	smov.u32 s18;
	s25 =	sadd.s32 s17, s15;
	s15 =	smov.u32 s19  }
0x13: {  	s7 =	sadd.s32 s17, s16;
	s16 =	smov.u32 s8;
	s8 =	simm.s32 $0x300  }
0x14: {  	s13 =	simm.s32 $0x500;
	s17 =	smax.u32 s12, $0x1;
	[dreg:$0x7] =	wrdreg s8  }
0x15: {  	s18 =	simm.s32 $0x600;
	s19 =	simm.s32 $0x700;
	[dreg:$0x1b] =	wrdreg s17  }
0x16: {  	s12 =	simm.s32 $0x8;
	s0 =	sshrl.u32 s20, $0x3;
	[dreg:$0x9] =	wrdreg s13  }
0x17: {  	s11 =	sshrl.u32 s21, $0x3;
	s24 =	sshrl.u32 s22, $0x3;
	[dreg:$0xa] =	wrdreg s18  }
0x18: {  	s4 =	sshrl.u32 s7, $0x3;
	s17 =	simm.s32 $0x10800;
	[dreg:$0xb] =	wrdreg s19  }
0x19: {  	s18 =	simm.s32 $0x11;
	s20 =	simm.s32 $0x180;
	[dreg:$0x14] =	wrdreg s16  }
0x1a: {  	s19 =	simm.s32 $0x80;
	s21 =	simm.s32 $0x280;
	[dreg:$0xc] =	wrdreg s20  }
0x1b: {  	s22 =	simm.s32 $0x380;
	s13 =	simm.s32 $0x0;
	[dreg:$0xd] =	wrdreg s21  }
0x1c: {  	s0 =	sadd.s32 s1, s0;
	s23 =	sadd.s32 s1, s11;
	[dreg:$0xe] =	wrdreg s22  }
0x1d: {  	s11 =	simm.s32 $0x400;
	s20 =	simm.s32 $0x800;
	[dreg:$0x16] =	wrdreg s0  }
0x1e: {  	s21 =	simm.s32 $0x2800;
	s22 =	simm.s32 $0x4800;
	[dreg:$0x17] =	wrdreg s23  }
0x1f: {  	s0 =	sadd.s32 s1, s24;
	[dreg:$0x8] =	wrdreg s11;
	s23 =	simm.s32 $0x480  }
0x20: {  	s24 =	simm.s32 $0x580;
	s11 =	simm.s32 $0x7;
	[dreg:$0x18] =	wrdreg s0  }
0x21: {  	s0 =	sshrl.u32 s25, $0x3;
	[dreg:$0xf] =	wrdreg s23;
	s23 =	simm.s32 $0x6800  }
0x22: {  	[dreg:$0x10] =	wrdreg s24;
	s25 =	simm.s32 $0x680;
	s24 =	simm.s32 $0x8800  }
0x23: {  	s0 =	sadd.s32 s1, s0;
	s1 =	sadd.s32 s1, s4;
	[dreg:$0x11] =	wrdreg s25  }
0x24: {  	s25 =	simm.s32 $0xA800;
	s4 =	simm.s32 $0x6;
	[dreg:$0x19] =	wrdreg s0  }
0x25: {  	[dreg:$0x1a] =	wrdreg s1;
	s0 =	simm.s32 $0x4;
	s1 =	simm.s32 $0x5  }
.LBB2_1:
0x26: {  	s5 =	rddreg [dreg:$0x13]  }
0x27: {  	[tilespmem:s17], [sflag:$0x11] =	stream.linear.gather [hbm4b:s5+s3], $0x2000, $0x38;
	[tilespmem:$0x1C600] =	vst v63  }
0x28: {  	_ =	swait.ge [sflag:s18], $0x2000  }
0x29: {  	[sflag:s18] =	ssyncset.done $0x0  }
0x2a: {  	[sflag:s18] =	ssyncadd.s32 $0xFFFFE000  }
0x2b: {  	[spmem:s6] =	stream.linear.scatter [tilespmem:s17], [sflag:$0x11], $0x2000, $0x38;
	[tilespmem:$0x1C600] =	vst v63  }
0x2c: {  	_ =	swait.ge [sflag:s18], $0x2000  }
0x2d: {  	[sflag:s18] =	ssyncset.done $0x0  }
0x2e: {  	[sflag:s18] =	ssyncadd.s32 $0xFFFFE000  }
0x2f: {  	[spmem:s14] =	stream.linear.scatter [tilespmem:s17], [sflag:$0x11], $0x2000, $0x38;
	[tilespmem:$0x1C600] =	vst v63  }
0x30: {  	_ =	swait.ge [sflag:s18], $0x2000  }
0x31: {  	[sflag:s18] =	ssyncset.done $0x0  }
0x32: {  	[sflag:s18] =	ssyncadd.s32 $0xFFFFE000  }
0x33: {  	[spmem:s15] =	stream.linear.scatter [tilespmem:s17], [sflag:$0x11], $0x2000, $0x38;
	[tilespmem:$0x1C600] =	vst v63  }
0x34: {  	_ =	swait.ge [sflag:s18], $0x2000  }
0x35: {  	[sflag:s18] =	ssyncset.done $0x0  }
0x36: {  	[sflag:s18] =	ssyncadd.s32 $0xFFFFE000  }
0x37: {  	[spmem:s16] =	stream.linear.scatter [tilespmem:s17], [sflag:$0x11], $0x2000, $0x38;
	[tilespmem:$0x1C600] =	vst v63  }
0x38: {  	_ =	swait.ge [sflag:s18], $0x2000  }
0x39: {  	[sflag:s18] =	ssyncset.done $0x0  }
0x3a: {  	s8 =	smov.u32 s14;
	s14 =	smov.u32 s9;
	[sflag:s18] =	ssyncadd.s32 $0xFFFFE000  }
0x3b: {  	[spmem:s14] =	stream.linear.scatter [tilespmem:s17], [sflag:$0x11], $0x1E00, $0x38;
	[tilespmem:$0x1C600] =	vst v63  }
0x3c: {  	_ =	swait.ge [sflag:s18], $0x1E00  }
0x3d: {  	p0 =	por $0x1, $0x1;
	[sflag:s18] =	ssyncset.done $0x0  }
0x3e: {  	p0 =	por p0, p0;
	[sflag:s18] =	ssyncadd.s32 $0xFFFFE200  }
0x3f: {  	s14 =	simm.s32 @!p0 $0x9;
	[bflag:$0x0] =	sbarrier.arrive $0xFFFF  }
0x40: {  	_ =	swait.ge @!p0 [sflag:s14], $0x2000  }
0x41: {  	[sflag:s14] =	ssyncset.done @!p0 $0x0  }
0x42: {  	[sflag:s14] =	ssyncadd.s32 @!p0 $0xFFFFE000;
	s14 =	simm.s32 @!p0 $0xA  }
0x43: {  	_ =	swait.ge @!p0 [sflag:s14], $0x2000  }
0x44: {  	[sflag:s14] =	ssyncset.done @!p0 $0x0  }
0x45: {  	[sflag:s14] =	ssyncadd.s32 @!p0 $0xFFFFE000;
	s14 =	simm.s32 @!p0 $0xB  }
0x46: {  	_ =	swait.ge @!p0 [sflag:s14], $0x2000  }
0x47: {  	[sflag:s14] =	ssyncset.done @!p0 $0x0  }
0x48: {  	[sflag:s14] =	ssyncadd.s32 @!p0 $0xFFFFE000;
	s14 =	simm.s32 @!p0 $0xC  }
0x49: {  	_ =	swait.ge @!p0 [sflag:s14], $0x2000  }
0x4a: {  	[sflag:s14] =	ssyncset.done @!p0 $0x0  }
0x4b: {  	[sflag:s14] =	ssyncadd.s32 @!p0 $0xFFFFE000;
	s14 =	simm.s32 @!p0 $0xD  }
0x4c: {  	_ =	swait.ge @!p0 [sflag:s14], $0x2000  }
0x4d: {  	[sflag:s14] =	ssyncset.done @!p0 $0x0  }
0x4e: {  	[sflag:s14] =	ssyncadd.s32 @!p0 $0xFFFFE000;
	s14 =	simm.s32 @!p0 $0xE  }
0x4f: {  	_ =	swait.ge @!p0 [sflag:s14], $0x2000  }
0x50: {  	[sflag:s14] =	ssyncset.done @!p0 $0x0  }
0x51: {  	[sflag:s14] =	ssyncadd.s32 @!p0 $0xFFFFE000;
	s14 =	simm.s32 @!p0 $0xF  }
0x52: {  	_ =	swait.ge @!p0 [sflag:s14], $0x2000  }
0x53: {  	[sflag:s14] =	ssyncset.done @!p0 $0x0  }
0x54: {  	[sflag:s14] =	ssyncadd.s32 @!p0 $0xFFFFE000;
	s14 =	simm.s32 @!p0 $0x10  }
0x55: {  	_ =	swait.ge @!p0 [sflag:s14], $0x2000  }
0x56: {  	s5 =	rddreg [dreg:$0x4];
	[sflag:s14] =	ssyncset.done @!p0 $0x0  }
0x57: {  	s7 =	smov.u32 s6;
	[sflag:s14] =	ssyncadd.s32 @!p0 $0xFFFFE000;
	s6 =	sadd.s32 $0x0, s5  }
0x58: {  	[tilespmem:s3], [sflag:$0x11] =	stream.linear.gather [hbm4b:s6+s3], $0x800, $0x38;
	[tilespmem:$0x1C600] =	vst v63  }
0x59: {  	_ =	swait.ge [sflag:s18], $0x800  }
0x5a: {  	[sflag:s18] =	ssyncset.done $0x0  }
0x5b: {  	[sflag:s18] =	ssyncadd.s32 $0xFFFFF800  }
0x5c: {  	[tilespmem:s20], [sflag:$0x1] =	stream.indirect.gather [hbm4b:s10+s19], $0x40, s3, s19, $0xb8;
	[tilespmem:$0x1C600] =	vst v63  }
0x5d: {  	s9 =	smov.u32 s15;
	s15 =	rddreg [dreg:$0x5]  }
0x5e: {  	[tilespmem:s21], [sflag:$0x2] =	stream.indirect.gather [hbm4b:s10+s19], $0x40, s15, s19, $0xb8;
	[tilespmem:$0x1C600] =	vst v63  }
0x5f: {  	s16 =	rddreg [dreg:$0x6]  }
0x60: {  	[tilespmem:s22], [sflag:$0x3] =	stream.indirect.gather [hbm4b:s10+s19], $0x40, s16, s19, $0xb8;
	[tilespmem:$0x1C600] =	vst v63  }
0x61: {  	s5 =	rddreg [dreg:$0x7]  }
0x62: {  	[tilespmem:s23], [sflag:$0x4] =	stream.indirect.gather [hbm4b:s10+s19], $0x40, s5, s19, $0xb8;
	[tilespmem:$0x1C600] =	vst v63  }
0x63: {  	s6 =	rddreg [dreg:$0x8]  }
0x64: {  	[tilespmem:s24], [sflag:$0x5] =	stream.indirect.gather [hbm4b:s10+s19], $0x40, s6, s19, $0xb8;
	[tilespmem:$0x1C600] =	vst v63  }
0x65: {  	s16 =	rddreg [dreg:$0x9]  }
0x66: {  	[tilespmem:s25], [sflag:$0x6] =	stream.indirect.gather [hbm4b:s10+s19], $0x40, s16, s19, $0xb8;
	[tilespmem:$0x1C600] =	vst v63  }
0x67: {  	s5 =	rddreg [dreg:$0xa]  }
0x68: {  	[tilespmem:s26], [sflag:$0x7] =	stream.indirect.gather [hbm4b:s10+s19], $0x40, s5, s19, $0xb8;
	[tilespmem:$0x1C600] =	vst v63  }
0x69: {  	s6 =	rddreg [dreg:$0xb]  }
0x6a: {  	[tilespmem:s28], [sflag:$0x8] =	stream.indirect.gather [hbm4b:s10+s19], $0x40, s6, s19, $0xb8;
	[tilespmem:$0x1C600] =	vst v63  }
0x6b: {  	_ =	swait.ge [sflag:s29], $0x2000  }
0x6c: {  	[sflag:s29] =	ssyncset.done $0x0  }
0x6d: {  	[sflag:s29] =	ssyncadd.s32 $0xFFFFE000  }
0x6e: {  	[spmem:s2] =	stream.indirect.scatter.add.f32 [tilespmem:s20], [sflag:$0x9], $0x40, s19, s19, $0xb8;
	[tilespmem:$0x1C600] =	vst v63  }
0x6f: {  	_ =	swait.ge [sflag:s30], $0x2000  }
0x70: {  	[sflag:s30] =	ssyncset.done $0x0  }
0x71: {  	s15 =	rddreg [dreg:$0xc];
	[sflag:s30] =	ssyncadd.s32 $0xFFFFE000  }
0x72: {  	[spmem:s2] =	stream.indirect.scatter.add.f32 [tilespmem:s21], [sflag:$0xA], $0x40, s15, s19, $0xb8;
	[tilespmem:$0x1C600] =	vst v63  }
0x73: {  	_ =	swait.ge [sflag:s31], $0x2000  }
0x74: {  	[sflag:s31] =	ssyncset.done $0x0  }
0x75: {  	s16 =	rddreg [dreg:$0xd];
	[sflag:s31] =	ssyncadd.s32 $0xFFFFE000  }
0x76: {  	[spmem:s2] =	stream.indirect.scatter.add.f32 [tilespmem:s22], [sflag:$0xB], $0x40, s16, s19, $0xb8;
	[tilespmem:$0x1C600] =	vst v63  }
0x77: {  	_ =	swait.ge [sflag:s0], $0x2000  }
0x78: {  	[sflag:s0] =	ssyncset.done $0x0  }
0x79: {  	s5 =	rddreg [dreg:$0xe];
	[sflag:s0] =	ssyncadd.s32 $0xFFFFE000  }
0x7a: {  	[spmem:s2] =	stream.indirect.scatter.add.f32 [tilespmem:s23], [sflag:$0xC], $0x40, s5, s19, $0xb8;
	[tilespmem:$0x1C600] =	vst v63  }
0x7b: {  	_ =	swait.ge [sflag:s1], $0x2000  }
0x7c: {  	[sflag:s1] =	ssyncset.done $0x0  }
0x7d: {  	s6 =	rddreg [dreg:$0xf];
	[sflag:s1] =	ssyncadd.s32 $0xFFFFE000  }
0x7e: {  	[spmem:s2] =	stream.indirect.scatter.add.f32 [tilespmem:s24], [sflag:$0xD], $0x40, s6, s19, $0xb8;
	[tilespmem:$0x1C600] =	vst v63  }
0x7f: {  	_ =	swait.ge [sflag:s4], $0x2000  }
0x80: {  	[sflag:s4] =	ssyncset.done $0x0  }
0x81: {  	s15 =	rddreg [dreg:$0x10];
	[sflag:s4] =	ssyncadd.s32 $0xFFFFE000  }
0x82: {  	[spmem:s2] =	stream.indirect.scatter.add.f32 [tilespmem:s25], [sflag:$0xE], $0x40, s15, s19, $0xb8;
	[tilespmem:$0x1C600] =	vst v63  }
0x83: {  	_ =	swait.ge [sflag:s11], $0x2000  }
0x84: {  	[sflag:s11] =	ssyncset.done $0x0  }
0x85: {  	s16 =	rddreg [dreg:$0x11];
	[sflag:s11] =	ssyncadd.s32 $0xFFFFE000  }
0x86: {  	[spmem:s2] =	stream.indirect.scatter.add.f32 [tilespmem:s26], [sflag:$0xF], $0x40, s16, s19, $0xb8;
	[tilespmem:$0x1C600] =	vst v63  }
0x87: {  	p6 =	por $0x0, $0x0;
	_ =	swait.ge [sflag:s12], $0x2000  }
0x88: {  	s14 =	simm.s32 $0x100;
	p0 =	por p6, p6;
	[sflag:s12] =	ssyncset.done $0x0  }
0x89: {  	s15 =	simm.s32 $0x200;
	s16 =	rddreg [dreg:$0x12];
	[sflag:s12] =	ssyncadd.s32 $0xFFFFE000  }
.LBB2_2:
0x8a: {  	[spmem:s2] =	stream.indirect.scatter.add.f32 [tilespmem:s28], [sflag:$0x10], $0x40, s16, s19, $0xb8;
	[tilespmem:$0x1C600] =	vst v63  }
0x8b: {  	s5 =	simm.s32 @!p0 $0x9  }
0x8c: {  	_ =	swait.ge @!p0 [sflag:s5], $0x2000  }
0x8d: {  	[sflag:s5] =	ssyncset.done @!p0 $0x0  }
0x8e: {  	[sflag:s5] =	ssyncadd.s32 @!p0 $0xFFFFE000;
	s5 =	simm.s32 @!p0 $0xA  }
0x8f: {  	_ =	swait.ge @!p0 [sflag:s5], $0x2000  }
0x90: {  	[sflag:s5] =	ssyncset.done @!p0 $0x0  }
0x91: {  	[sflag:s5] =	ssyncadd.s32 @!p0 $0xFFFFE000;
	s5 =	simm.s32 @!p0 $0xB  }
0x92: {  	_ =	swait.ge @!p0 [sflag:s5], $0x2000  }
0x93: {  	[sflag:s5] =	ssyncset.done @!p0 $0x0  }
0x94: {  	[sflag:s5] =	ssyncadd.s32 @!p0 $0xFFFFE000;
	s5 =	simm.s32 @!p0 $0xC  }
0x95: {  	_ =	swait.ge @!p0 [sflag:s5], $0x2000  }
0x96: {  	[sflag:s5] =	ssyncset.done @!p0 $0x0  }
0x97: {  	[sflag:s5] =	ssyncadd.s32 @!p0 $0xFFFFE000;
	s5 =	simm.s32 @!p0 $0xD  }
0x98: {  	_ =	swait.ge @!p0 [sflag:s5], $0x2000  }
0x99: {  	[sflag:s5] =	ssyncset.done @!p0 $0x0  }
0x9a: {  	[sflag:s5] =	ssyncadd.s32 @!p0 $0xFFFFE000;
	s5 =	simm.s32 @!p0 $0xE  }
0x9b: {  	_ =	swait.ge @!p0 [sflag:s5], $0x2000  }
0x9c: {  	[sflag:s5] =	ssyncset.done @!p0 $0x0  }
0x9d: {  	[sflag:s5] =	ssyncadd.s32 @!p0 $0xFFFFE000;
	s5 =	simm.s32 @!p0 $0xF  }
0x9e: {  	_ =	swait.ge @!p0 [sflag:s5], $0x2000  }
0x9f: {  	[sflag:s5] =	ssyncset.done @!p0 $0x0  }
0xa0: {  	[sflag:s5] =	ssyncadd.s32 @!p0 $0xFFFFE000;
	s5 =	simm.s32 @!p0 $0x10  }
0xa1: {  	_ =	swait.ge @!p0 [sflag:s5], $0x2000  }
0xa2: {  	s6 =	rddreg [dreg:$0x4];
	[sflag:s5] =	ssyncset.done @!p0 $0x0  }
0xa3: {  	[sflag:s5] =	ssyncadd.s32 @!p0 $0xFFFFE000;
	s6 =	sadd.s32 s14, s6  }
0xa4: {  	[tilespmem:s3], [sflag:$0x11] =	stream.linear.gather [hbm4b:s6+s3], $0x800, $0x38;
	[tilespmem:$0x1C600] =	vst v63  }
0xa5: {  	_ =	swait.ge [sflag:s18], $0x800  }
0xa6: {  	[sflag:s18] =	ssyncset.done $0x0  }
0xa7: {  	s16 =	smov.u32 s15;
	[sflag:s18] =	ssyncadd.s32 $0xFFFFF800  }
0xa8: {  	[tilespmem:s20], [sflag:$0x1] =	stream.indirect.gather [hbm4b:s10+s19], $0x40, s3, s19, $0xb8;
	[tilespmem:$0x1C600] =	vst v63  }
0xa9: {  	p2 =	seq.s32 s16, $0x0;
	s14 =	smov.u32 s16;
	s16 =	rddreg [dreg:$0x5]  }
0xaa: {  	[tilespmem:s21], [sflag:$0x2] =	stream.indirect.gather [hbm4b:s10+s19], $0x40, s16, s19, $0xb8;
	[tilespmem:$0x1C600] =	vst v63  }
0xab: {  	s6 =	rddreg [dreg:$0x6]  }
0xac: {  	[tilespmem:s22], [sflag:$0x3] =	stream.indirect.gather [hbm4b:s10+s19], $0x40, s6, s19, $0xb8;
	[tilespmem:$0x1C600] =	vst v63  }
0xad: {  	s16 =	rddreg [dreg:$0x7]  }
0xae: {  	[tilespmem:s23], [sflag:$0x4] =	stream.indirect.gather [hbm4b:s10+s19], $0x40, s16, s19, $0xb8;
	[tilespmem:$0x1C600] =	vst v63  }
0xaf: {  	s6 =	rddreg [dreg:$0x8]  }
0xb0: {  	[tilespmem:s24], [sflag:$0x5] =	stream.indirect.gather [hbm4b:s10+s19], $0x40, s6, s19, $0xb8;
	[tilespmem:$0x1C600] =	vst v63  }
0xb1: {  	s16 =	rddreg [dreg:$0x9]  }
0xb2: {  	[tilespmem:s25], [sflag:$0x6] =	stream.indirect.gather [hbm4b:s10+s19], $0x40, s16, s19, $0xb8;
	[tilespmem:$0x1C600] =	vst v63  }
0xb3: {  	s6 =	rddreg [dreg:$0xa]  }
0xb4: {  	[tilespmem:s26], [sflag:$0x7] =	stream.indirect.gather [hbm4b:s10+s19], $0x40, s6, s19, $0xb8;
	[tilespmem:$0x1C600] =	vst v63  }
0xb5: {  	s16 =	rddreg [dreg:$0xb]  }
0xb6: {  	[tilespmem:s28], [sflag:$0x8] =	stream.indirect.gather [hbm4b:s10+s19], $0x40, s16, s19, $0xb8;
	[tilespmem:$0x1C600] =	vst v63  }
0xb7: {  	_ =	swait.ge [sflag:s29], $0x2000  }
0xb8: {  	[sflag:s29] =	ssyncset.done $0x0  }
0xb9: {  	[sflag:s29] =	ssyncadd.s32 $0xFFFFE000  }
0xba: {  	[spmem:s2] =	stream.indirect.scatter.add.f32 [tilespmem:s20], [sflag:$0x9], $0x40, s19, s19, $0xb8;
	[tilespmem:$0x1C600] =	vst v63  }
0xbb: {  	_ =	swait.ge [sflag:s30], $0x2000  }
0xbc: {  	[sflag:s30] =	ssyncset.done $0x0  }
0xbd: {  	s6 =	rddreg [dreg:$0xc];
	[sflag:s30] =	ssyncadd.s32 $0xFFFFE000  }
0xbe: {  	[spmem:s2] =	stream.indirect.scatter.add.f32 [tilespmem:s21], [sflag:$0xA], $0x40, s6, s19, $0xb8;
	[tilespmem:$0x1C600] =	vst v63  }
0xbf: {  	_ =	swait.ge [sflag:s31], $0x2000  }
0xc0: {  	[sflag:s31] =	ssyncset.done $0x0  }
0xc1: {  	s16 =	rddreg [dreg:$0xd];
	[sflag:s31] =	ssyncadd.s32 $0xFFFFE000  }
0xc2: {  	[spmem:s2] =	stream.indirect.scatter.add.f32 [tilespmem:s22], [sflag:$0xB], $0x40, s16, s19, $0xb8;
	[tilespmem:$0x1C600] =	vst v63  }
0xc3: {  	_ =	swait.ge [sflag:s0], $0x2000  }
0xc4: {  	[sflag:s0] =	ssyncset.done $0x0  }
0xc5: {  	s6 =	rddreg [dreg:$0xe];
	[sflag:s0] =	ssyncadd.s32 $0xFFFFE000  }
0xc6: {  	[spmem:s2] =	stream.indirect.scatter.add.f32 [tilespmem:s23], [sflag:$0xC], $0x40, s6, s19, $0xb8;
	[tilespmem:$0x1C600] =	vst v63  }
0xc7: {  	_ =	swait.ge [sflag:s1], $0x2000  }
0xc8: {  	[sflag:s1] =	ssyncset.done $0x0  }
0xc9: {  	s16 =	rddreg [dreg:$0xf];
	[sflag:s1] =	ssyncadd.s32 $0xFFFFE000  }
0xca: {  	[spmem:s2] =	stream.indirect.scatter.add.f32 [tilespmem:s24], [sflag:$0xD], $0x40, s16, s19, $0xb8;
	[tilespmem:$0x1C600] =	vst v63  }
0xcb: {  	_ =	swait.ge [sflag:s4], $0x2000  }
0xcc: {  	[sflag:s4] =	ssyncset.done $0x0  }
0xcd: {  	s6 =	rddreg [dreg:$0x10];
	[sflag:s4] =	ssyncadd.s32 $0xFFFFE000  }
0xce: {  	[spmem:s2] =	stream.indirect.scatter.add.f32 [tilespmem:s25], [sflag:$0xE], $0x40, s6, s19, $0xb8;
	[tilespmem:$0x1C600] =	vst v63  }
0xcf: {  	s15 =	sadd.s32 $0x100, s15;
	_ =	swait.ge [sflag:s11], $0x2000  }
0xd0: {  	p1 =	sne.s32 s15, $0x1400;
	[sflag:s11] =	ssyncset.done $0x0  }
.Ltmp0:
0xd1: {  	s16 =	rddreg [dreg:$0x11];
	[sflag:s11] =	ssyncadd.s32 $0xFFFFE000;
	(pc) =	sbr.rel @p1 .LBB2_2-.Ltmp0, $4  }
0xd2: {  	[spmem:s2] =	stream.indirect.scatter.add.f32 [tilespmem:s26], [sflag:$0xF], $0x40, s16, s19, $0xb8;
	[tilespmem:$0x1C600] =	vst v63  }
0xd3: {  	_ =	swait.ge [sflag:s12], $0x2000  }
0xd4: {  	[sflag:s12] =	ssyncset.done $0x0  }
0xd5: {  	p0 =	por p2, p2;
	s16 =	rddreg [dreg:$0x12];
	[sflag:s12] =	ssyncadd.s32 $0xFFFFE000  }
0xd6: {  	[spmem:s2] =	stream.indirect.scatter.add.f32 [tilespmem:s28], [sflag:$0x10], $0x40, s16, s19, $0xb8;
	[tilespmem:$0x1C600] =	vst v63  }
0xd7: {  	s5 =	simm.s32 @!p0 $0x9  }
0xd8: {  	_ =	swait.ge @!p0 [sflag:s5], $0x2000  }
0xd9: {  	[sflag:s5] =	ssyncset.done @!p0 $0x0  }
0xda: {  	[sflag:s5] =	ssyncadd.s32 @!p0 $0xFFFFE000;
	s5 =	simm.s32 @!p0 $0xA  }
0xdb: {  	_ =	swait.ge @!p0 [sflag:s5], $0x2000  }
0xdc: {  	[sflag:s5] =	ssyncset.done @!p0 $0x0  }
0xdd: {  	[sflag:s5] =	ssyncadd.s32 @!p0 $0xFFFFE000;
	s5 =	simm.s32 @!p0 $0xB  }
0xde: {  	_ =	swait.ge @!p0 [sflag:s5], $0x2000  }
0xdf: {  	[sflag:s5] =	ssyncset.done @!p0 $0x0  }
0xe0: {  	[sflag:s5] =	ssyncadd.s32 @!p0 $0xFFFFE000;
	s5 =	simm.s32 @!p0 $0xC  }
0xe1: {  	_ =	swait.ge @!p0 [sflag:s5], $0x2000  }
0xe2: {  	[sflag:s5] =	ssyncset.done @!p0 $0x0  }
0xe3: {  	[sflag:s5] =	ssyncadd.s32 @!p0 $0xFFFFE000;
	s5 =	simm.s32 @!p0 $0xD  }
0xe4: {  	_ =	swait.ge @!p0 [sflag:s5], $0x2000  }
0xe5: {  	[sflag:s5] =	ssyncset.done @!p0 $0x0  }
0xe6: {  	[sflag:s5] =	ssyncadd.s32 @!p0 $0xFFFFE000;
	s5 =	simm.s32 @!p0 $0xE  }
0xe7: {  	_ =	swait.ge @!p0 [sflag:s5], $0x2000  }
0xe8: {  	[sflag:s5] =	ssyncset.done @!p0 $0x0  }
0xe9: {  	[sflag:s5] =	ssyncadd.s32 @!p0 $0xFFFFE000;
	s5 =	simm.s32 @!p0 $0xF  }
0xea: {  	_ =	swait.ge @!p0 [sflag:s5], $0x2000  }
0xeb: {  	[sflag:s5] =	ssyncset.done @!p0 $0x0  }
0xec: {  	[sflag:s5] =	ssyncadd.s32 @!p0 $0xFFFFE000;
	s5 =	simm.s32 @!p0 $0x10  }
0xed: {  	_ =	swait.ge @!p0 [sflag:s5], $0x2000  }
0xee: {  	s6 =	rddreg [dreg:$0x4];
	[sflag:s5] =	ssyncset.done @!p0 $0x0  }
0xef: {  	[sflag:s5] =	ssyncadd.s32 @!p0 $0xFFFFE000;
	s16 =	sadd.s32 s14, s6  }
0xf0: {  	[tilespmem:s3], [sflag:$0x11] =	stream.linear.gather [hbm4b:s16+s3], $0x800, $0x38;
	[tilespmem:$0x1C600] =	vst v63  }
0xf1: {  	_ =	swait.ge [sflag:s18], $0x800  }
0xf2: {  	[sflag:s18] =	ssyncset.done $0x0  }
0xf3: {  	[sflag:s18] =	ssyncadd.s32 $0xFFFFF800  }
0xf4: {  	[tilespmem:s20], [sflag:$0x1] =	stream.indirect.gather [hbm4b:s10+s19], $0x40, s3, s19, $0xb8;
	[tilespmem:$0x1C600] =	vst v63  }
0xf5: {  	s6 =	rddreg [dreg:$0x5]  }
0xf6: {  	[tilespmem:s21], [sflag:$0x2] =	stream.indirect.gather [hbm4b:s10+s19], $0x40, s6, s19, $0xb8;
	[tilespmem:$0x1C600] =	vst v63  }
0xf7: {  	s14 =	rddreg [dreg:$0x6]  }
0xf8: {  	[tilespmem:s22], [sflag:$0x3] =	stream.indirect.gather [hbm4b:s10+s19], $0x40, s14, s19, $0xb8;
	[tilespmem:$0x1C600] =	vst v63  }
0xf9: {  	s15 =	rddreg [dreg:$0x7]  }
0xfa: {  	[tilespmem:s23], [sflag:$0x4] =	stream.indirect.gather [hbm4b:s10+s19], $0x40, s15, s19, $0xb8;
	[tilespmem:$0x1C600] =	vst v63  }
0xfb: {  	s16 =	rddreg [dreg:$0x8]  }
0xfc: {  	[tilespmem:s24], [sflag:$0x5] =	stream.indirect.gather [hbm4b:s10+s19], $0x40, s16, s19, $0xb8;
	[tilespmem:$0x1C600] =	vst v63  }
0xfd: {  	s14 =	rddreg [dreg:$0x9]  }
0xfe: {  	[tilespmem:s25], [sflag:$0x6] =	stream.indirect.gather [hbm4b:s10+s19], $0x40, s14, s19, $0xb8;
	[tilespmem:$0x1C600] =	vst v63  }
0xff: {  	s15 =	rddreg [dreg:$0xa]  }
0x100: {  	[tilespmem:s26], [sflag:$0x7] =	stream.indirect.gather [hbm4b:s10+s19], $0x40, s15, s19, $0xb8;
	[tilespmem:$0x1C600] =	vst v63  }
0x101: {  	s16 =	rddreg [dreg:$0xb]  }
0x102: {  	[tilespmem:s28], [sflag:$0x8] =	stream.indirect.gather [hbm4b:s10+s19], $0x40, s16, s19, $0xb8;
	[tilespmem:$0x1C600] =	vst v63  }
0x103: {  	_ =	swait.ge [sflag:s29], $0x2000  }
0x104: {  	[sflag:s29] =	ssyncset.done $0x0  }
0x105: {  	[sflag:s29] =	ssyncadd.s32 $0xFFFFE000  }
0x106: {  	[spmem:s2] =	stream.indirect.scatter.add.f32 [tilespmem:s20], [sflag:$0x9], $0x40, s19, s19, $0xb8;
	[tilespmem:$0x1C600] =	vst v63  }
0x107: {  	_ =	swait.ge [sflag:s30], $0x2000  }
0x108: {  	[sflag:s30] =	ssyncset.done $0x0  }
0x109: {  	s6 =	rddreg [dreg:$0xc];
	[sflag:s30] =	ssyncadd.s32 $0xFFFFE000  }
0x10a: {  	[spmem:s2] =	stream.indirect.scatter.add.f32 [tilespmem:s21], [sflag:$0xA], $0x40, s6, s19, $0xb8;
	[tilespmem:$0x1C600] =	vst v63  }
0x10b: {  	_ =	swait.ge [sflag:s31], $0x2000  }
0x10c: {  	[sflag:s31] =	ssyncset.done $0x0  }
0x10d: {  	s14 =	rddreg [dreg:$0xd];
	[sflag:s31] =	ssyncadd.s32 $0xFFFFE000  }
0x10e: {  	[spmem:s2] =	stream.indirect.scatter.add.f32 [tilespmem:s22], [sflag:$0xB], $0x40, s14, s19, $0xb8;
	[tilespmem:$0x1C600] =	vst v63  }
0x10f: {  	_ =	swait.ge [sflag:s0], $0x2000  }
0x110: {  	[sflag:s0] =	ssyncset.done $0x0  }
0x111: {  	s15 =	rddreg [dreg:$0xe];
	[sflag:s0] =	ssyncadd.s32 $0xFFFFE000  }
0x112: {  	[spmem:s2] =	stream.indirect.scatter.add.f32 [tilespmem:s23], [sflag:$0xC], $0x40, s15, s19, $0xb8;
	[tilespmem:$0x1C600] =	vst v63  }
0x113: {  	_ =	swait.ge [sflag:s1], $0x2000  }
0x114: {  	[sflag:s1] =	ssyncset.done $0x0  }
0x115: {  	s16 =	rddreg [dreg:$0xf];
	[sflag:s1] =	ssyncadd.s32 $0xFFFFE000  }
0x116: {  	[spmem:s2] =	stream.indirect.scatter.add.f32 [tilespmem:s24], [sflag:$0xD], $0x40, s16, s19, $0xb8;
	[tilespmem:$0x1C600] =	vst v63  }
0x117: {  	_ =	swait.ge [sflag:s4], $0x2000  }
0x118: {  	[sflag:s4] =	ssyncset.done $0x0  }
0x119: {  	s6 =	rddreg [dreg:$0x10];
	[sflag:s4] =	ssyncadd.s32 $0xFFFFE000  }
0x11a: {  	[spmem:s2] =	stream.indirect.scatter.add.f32 [tilespmem:s25], [sflag:$0xE], $0x40, s6, s19, $0xb8;
	[tilespmem:$0x1C600] =	vst v63  }
0x11b: {  	_ =	swait.ge [sflag:s11], $0x2000  }
0x11c: {  	[sflag:s11] =	ssyncset.done $0x0  }
0x11d: {  	s14 =	rddreg [dreg:$0x11];
	[sflag:s11] =	ssyncadd.s32 $0xFFFFE000  }
0x11e: {  	[spmem:s2] =	stream.indirect.scatter.add.f32 [tilespmem:s26], [sflag:$0xF], $0x40, s14, s19, $0xb8;
	[tilespmem:$0x1C600] =	vst v63  }
0x11f: {  	_ =	swait.ge [sflag:s12], $0x2000  }
0x120: {  	[sflag:s12] =	ssyncset.done $0x0  }
0x121: {  	s16 =	simm.s32 $0x9;
	s15 =	rddreg [dreg:$0x12];
	[sflag:s12] =	ssyncadd.s32 $0xFFFFE000  }
0x122: {  	[spmem:s2] =	stream.indirect.scatter.add.f32 [tilespmem:s28], [sflag:$0x10], $0x40, s15, s19, $0xb8;
	[tilespmem:$0x1C600] =	vst v63  }
0x123: {  	_ =	swait.ge [sflag:s16], $0x2000  }
0x124: {  	[sflag:s16] =	ssyncset.done $0x0  }
0x125: {  	s6 =	simm.s32 $0xA;
	[sflag:s16] =	ssyncadd.s32 $0xFFFFE000  }
0x126: {  	_ =	swait.ge [sflag:s6], $0x2000  }
0x127: {  	[sflag:s6] =	ssyncset.done $0x0  }
0x128: {  	s14 =	simm.s32 $0xB;
	[sflag:s6] =	ssyncadd.s32 $0xFFFFE000  }
0x129: {  	_ =	swait.ge [sflag:s14], $0x2000  }
0x12a: {  	[sflag:s14] =	ssyncset.done $0x0  }
0x12b: {  	s15 =	simm.s32 $0xC;
	[sflag:s14] =	ssyncadd.s32 $0xFFFFE000  }
0x12c: {  	_ =	swait.ge [sflag:s15], $0x2000  }
0x12d: {  	[sflag:s15] =	ssyncset.done $0x0  }
0x12e: {  	s16 =	simm.s32 $0xD;
	[sflag:s15] =	ssyncadd.s32 $0xFFFFE000  }
0x12f: {  	_ =	swait.ge [sflag:s16], $0x2000  }
0x130: {  	[sflag:s16] =	ssyncset.done $0x0  }
0x131: {  	s6 =	simm.s32 $0xE;
	[sflag:s16] =	ssyncadd.s32 $0xFFFFE000  }
0x132: {  	_ =	swait.ge [sflag:s6], $0x2000  }
0x133: {  	[sflag:s6] =	ssyncset.done $0x0  }
0x134: {  	s14 =	simm.s32 $0xF;
	[sflag:s6] =	ssyncadd.s32 $0xFFFFE000  }
0x135: {  	_ =	swait.ge [sflag:s14], $0x2000  }
0x136: {  	[sflag:s14] =	ssyncset.done $0x0  }
0x137: {  	s15 =	simm.s32 $0x10;
	[sflag:s14] =	ssyncadd.s32 $0xFFFFE000  }
0x138: {  	_ =	swait.ge [sflag:s15], $0x2000  }
0x139: {  	[sflag:s15] =	ssyncset.done $0x0  }
0x13a: {  	[sflag:s15] =	ssyncadd.s32 $0xFFFFE000  }
0x13b: {  	[bflag:$0x0] =	sbarrier.arrive $0xFFFF  }
0x13c: {  	[tilespmem:s17], [sflag:$0x11] =	stream.linear.gather [spmem:s7], $0x2000, $0x38;
	[tilespmem:$0x1C600] =	vst v63  }
0x13d: {  	_ =	swait.ge [sflag:s18], $0x2000  }
0x13e: {  	[sflag:s18] =	ssyncset.done $0x0  }
0x13f: {  	s16 =	rddreg [dreg:$0x16];
	[sflag:s18] =	ssyncadd.s32 $0xFFFFE000  }
0x140: {  	[hbm4b:s16+s3] =	stream.linear.scatter [tilespmem:s17], [sflag:$0x11], $0x2000, $0x38;
	[tilespmem:$0x1C600] =	vst v63  }
0x141: {  	_ =	swait.ge [sflag:s18], $0x2000  }
0x142: {  	[sflag:s18] =	ssyncset.done $0x0  }
0x143: {  	[sflag:s18] =	ssyncadd.s32 $0xFFFFE000  }
0x144: {  	[tilespmem:s17], [sflag:$0x11] =	stream.linear.gather [spmem:s8], $0x2000, $0x38;
	[tilespmem:$0x1C600] =	vst v63  }
0x145: {  	_ =	swait.ge [sflag:s18], $0x2000  }
0x146: {  	[sflag:s18] =	ssyncset.done $0x0  }
0x147: {  	s6 =	smov.u32 s7;
	s7 =	rddreg [dreg:$0x17];
	[sflag:s18] =	ssyncadd.s32 $0xFFFFE000  }
0x148: {  	[hbm4b:s7+s3] =	stream.linear.scatter [tilespmem:s17], [sflag:$0x11], $0x2000, $0x38;
	[tilespmem:$0x1C600] =	vst v63  }
0x149: {  	_ =	swait.ge [sflag:s18], $0x2000  }
0x14a: {  	[sflag:s18] =	ssyncset.done $0x0  }
0x14b: {  	[sflag:s18] =	ssyncadd.s32 $0xFFFFE000  }
0x14c: {  	[tilespmem:s17], [sflag:$0x11] =	stream.linear.gather [spmem:s9], $0x2000, $0x38;
	[tilespmem:$0x1C600] =	vst v63  }
0x14d: {  	_ =	swait.ge [sflag:s18], $0x2000  }
0x14e: {  	[sflag:s18] =	ssyncset.done $0x0  }
0x14f: {  	s14 =	smov.u32 s8;
	s8 =	rddreg [dreg:$0x18];
	[sflag:s18] =	ssyncadd.s32 $0xFFFFE000  }
0x150: {  	[hbm4b:s8+s3] =	stream.linear.scatter [tilespmem:s17], [sflag:$0x11], $0x2000, $0x38;
	[tilespmem:$0x1C600] =	vst v63  }
0x151: {  	_ =	swait.ge [sflag:s18], $0x2000  }
0x152: {  	[sflag:s18] =	ssyncset.done $0x0  }
0x153: {  	s16 =	rddreg [dreg:$0x14];
	[sflag:s18] =	ssyncadd.s32 $0xFFFFE000  }
0x154: {  	[tilespmem:s17], [sflag:$0x11] =	stream.linear.gather [spmem:s16], $0x2000, $0x38;
	[tilespmem:$0x1C600] =	vst v63  }
0x155: {  	_ =	swait.ge [sflag:s18], $0x2000  }
0x156: {  	[sflag:s18] =	ssyncset.done $0x0  }
0x157: {  	s15 =	smov.u32 s9;
	s9 =	rddreg [dreg:$0x19];
	[sflag:s18] =	ssyncadd.s32 $0xFFFFE000  }
0x158: {  	[hbm4b:s9+s3] =	stream.linear.scatter [tilespmem:s17], [sflag:$0x11], $0x2000, $0x38;
	[tilespmem:$0x1C600] =	vst v63  }
0x159: {  	_ =	swait.ge [sflag:s18], $0x2000  }
0x15a: {  	[sflag:s18] =	ssyncset.done $0x0  }
0x15b: {  	s9 =	rddreg [dreg:$0x15];
	[sflag:s18] =	ssyncadd.s32 $0xFFFFE000  }
0x15c: {  	[tilespmem:s17], [sflag:$0x11] =	stream.linear.gather [spmem:s9], $0x1E00, $0x38;
	[tilespmem:$0x1C600] =	vst v63  }
0x15d: {  	_ =	swait.ge [sflag:s18], $0x1E00  }
0x15e: {  	[sflag:s18] =	ssyncset.done $0x0  }
0x15f: {  	s7 =	rddreg [dreg:$0x1a];
	[sflag:s18] =	ssyncadd.s32 $0xFFFFE200  }
0x160: {  	[hbm4b:s7+s3] =	stream.linear.scatter [tilespmem:s17], [sflag:$0x11], $0x1E00, $0x38;
	[tilespmem:$0x1C600] =	vst v63  }
0x161: {  	_ =	swait.ge [sflag:s18], $0x1E00  }
0x162: {  	s13 =	sadd.s32 $0x1, s13;
	s8 =	rddreg [dreg:$0x1b]  }
0x163: {  	p0 =	sne.s32 s13, s8  }
.Ltmp1:
0x164: {  	_ = 	snop;
	(pc) =	sbr.rel @p0 .LBB2_1-.Ltmp1, $3  }
0x165: {  	_ =	sdelay $0x1  }
0x166: {  	[sflag:s18] =	ssyncset.done $0x0  }
0x167: {  	[sflag:s18] =	ssyncadd.s32 $0xFFFFE200  }
0x168: {  	_ =	sfence.sel $0x180000  }
0x169: {  	[bflag:$0x0] =	sbarrier.arrive $0xFFFF  }
0x16a: {  	_ =	strace $0x9000004A  }
0x16b: {  	s0 =	stileid.u32;
	[bflag:$0x2] =	sbarrier.arrive $0xFFFF  }
0x16c: {  	p0 =	sne.s32 s0, $0x0;
	s0 =	rddreg [dreg:$0x3]  }
0x16d: {  	s0 =	sadd.s32 @!p0 $0x100000, s0  }
0x16e: {  	[sflag:s0] =	ssyncadd.tile.s32 @!p0 $0x1;
	_ =	shalt  }
.Lfunc_end2:
_tile_overlayer_lowered:
.L_overlay_start_2:
0x16f: {  	(tag) =	ssettag $0x2  }
0x170: {  	s0 =	rddreg [dreg:$0x0];
	s2 =	stileid.u32  }
0x171: {  	s1 =	rddreg [dreg:$0x1];
	p0 =	sne.s32 s2, $0x0  }
0x172: {  	s3 =	rddreg [dreg:$0x2];
	[bflag:$0x3] =	sbarrier.arrive $0xFFFF;
	s2 =	simm.s32 @!p0 $0x1C11  }
0x173: {  	[timem:s3], [sflag:s2] =	dma.local @!p0 [hbm:s0], s1  }
0x174: {  	s0 =	simm.s32 @!p0 $0x11  }
0x175: {  	_ =	swait.ge @!p0 [sflag:s0], s1  }
0x176: {  	s1 =	ssub.s32 @!p0 $0x0, s1;
	[sflag:s0] =	ssyncset.done @!p0 $0x0  }
0x177: {  	[sflag:s0] =	ssyncadd.s32 @!p0 s1  }
0x178: {  	[bflag:$0x3] =	sbarrier.arrive $0xFFFF  }
0x179: {  	_ =	shalt  }

</sc_bundles>
